<compile_context>
chip_gen: v7x
topology: tpu7x:2x2x1
jax: 0.10.2.dev20260603
libtpu: 0.0.44.dev20260713+nightly
codegen_flags: <defaults>
</compile_context>

<pallas_src>
import functools

import jax
import jax.numpy as jnp
from jax import lax
from jax.experimental import pallas as pl
from jax.experimental.pallas import tpu as pltpu
from jax.experimental.pallas import tpu_sc as plsc

N_ROWS = 16906
DIM = 512

_info = plsc.get_sparse_core_info()
_NC, _NS = _info.num_cores, _info.num_subcores

_SP_BLOCKS = (1080, 1056, 1056, 1056)
_SP_CHUNK = sum(_SP_BLOCKS)
_SP_TOTAL = _NC * _SP_CHUNK
_SP_BUF_ROWS = max(_SP_BLOCKS)
_SP_NBUF = 2

_ST_WORKERS = (_NS - 1) * _NC
_ST_CHUNK = 280
_ST_CROWS = 40
_ST_NCH = _ST_CHUNK // _ST_CROWS
_ST_TOTAL = _ST_WORKERS * _ST_CHUNK
_ST_NBUF = 3

_TAIL_BASE = _SP_TOTAL + _ST_TOTAL
_REM = N_ROWS - _TAIL_BASE

_mesh = plsc.VectorSubcoreMesh(core_axis_name="c", subcore_axis_name="s")


def _pipeline(blocks, nbuf, base, table_hbm, out_hbm, buf, in_sems, out_sems):
    nch = len(blocks)
    offs = []
    o = base
    for b in blocks:
        offs.append(o)
        o = o + b

    in_d = [None] * nch
    out_d = [None] * nch

    def start_in(i):
        in_d[i] = pltpu.async_copy(
            table_hbm.at[pl.ds(offs[i], blocks[i])],
            buf.at[i % nbuf, pl.ds(0, blocks[i])],
            in_sems[i % nbuf])

    def start_out(i):
        out_d[i] = pltpu.async_copy(
            buf.at[i % nbuf, pl.ds(0, blocks[i])],
            out_hbm.at[pl.ds(offs[i], blocks[i])],
            out_sems[i % nbuf])

    for j in range(min(nbuf - 1, nch)):
        start_in(j)
    for i in range(nch):
        j = i + nbuf - 1
        if j < nch:
            if i >= 1:
                out_d[i - 1].wait()
            start_in(j)
        in_d[i].wait()
        start_out(i)
    for i in range(max(0, nch - nbuf), nch):
        out_d[i].wait()


@functools.partial(
    pl.kernel,
    mesh=_mesh,
    out_type=jax.ShapeDtypeStruct((N_ROWS, DIM), jnp.float32),
    scratch_types=[
        pltpu.VMEM_SHARED((_SP_NBUF, _SP_BUF_ROWS, DIM), jnp.float32),
        pltpu.VMEM((_ST_NBUF, _ST_CROWS, DIM), jnp.float32),
        pltpu.SemaphoreType.DMA,
        pltpu.SemaphoreType.DMA,
        pltpu.SemaphoreType.DMA,
        pltpu.SemaphoreType.DMA,
        pltpu.SemaphoreType.DMA,
        pltpu.SemaphoreType.DMA,
    ],
)
def _slice_copy(table_hbm, out_hbm, spbuf, stbuf,
                si0, si1, si2, so0, so1, so2):
    cid = lax.axis_index("c")
    sid = lax.axis_index("s")
    in_sems = (si0, si1, si2)
    out_sems = (so0, so1, so2)

    @pl.when(sid == 0)
    def _spmem_main():
        _pipeline(_SP_BLOCKS, _SP_NBUF, cid * _SP_CHUNK,
                  table_hbm, out_hbm, spbuf, in_sems, out_sems)

    @pl.when(sid > 0)
    def _stream_main():
        k = (sid - 1) * _NC + cid
        base = _SP_TOTAL + k * _ST_CHUNK
        _pipeline((_ST_CROWS,) * _ST_NCH, _ST_NBUF, base,
                  table_hbm, out_hbm, stbuf, in_sems, out_sems)

        @pl.when(k < _REM)
        def _tail():
            r = _TAIL_BASE + k
            row = stbuf.at[0, pl.ds(0, 1)]
            pltpu.sync_copy(table_hbm.at[pl.ds(r, 1)], row)
            pltpu.sync_copy(row, out_hbm.at[pl.ds(r, 1)])


def kernel(x, table):
    del x
    return _slice_copy(table)

# --- scband reference (transcript-rebuilt; emitter-appended) ---
"""Pipeline reference for scband-gene2-vec-positional-embedding-32796370272371 (READ-ONLY COPY).

The authoritative reference and input builder live on the scoring server;
editing this copy changes nothing except your own understanding.
"""

import jax, jax.numpy as jnp
import numpy as np

N_GENES = 16906
G2V_DIM = 200
DIM = 512
ADD_DIM = 0
BATCH = 8
SEQ_LEN = 16906


def setup_inputs(seed: int = 0) -> dict:
    key = jax.random.key(seed)
    k1, k2, k3, k4 = jax.random.split(key, 4)
    # pretrained gene2vec weights [N_GENES, 200]
    g2v = jax.random.normal(k1, (N_GENES, G2V_DIM), dtype=jnp.float32)
    # nn.Linear(200, dim) applied at __init__ time: y = g2v @ W^T + b
    W = jax.random.normal(k2, (G2V_DIM, DIM), dtype=jnp.float32) / jnp.sqrt(G2V_DIM)
    b = jax.random.normal(k3, (DIM,), dtype=jnp.float32) * 0.01
    proj = g2v @ W + b
    # prepend (1 + add_dim) zero rows -> frozen embedding table
    table = jnp.concatenate([jnp.zeros((1 + ADD_DIM, DIM), dtype=jnp.float32), proj], axis=0)
    x = jax.random.normal(k4, (BATCH, SEQ_LEN), dtype=jnp.float32)
    return {"x": x, "table": table}


def reference(x, table):
    # forward: t = arange(x.shape[1]); return emb(t)
    t = jnp.arange(x.shape[1])
    return jnp.take(table, t, axis=0)

if __name__ == "__main__":
    import jax
    _d = setup_inputs()
    print(jax.jit(kernel)(*tuple(_d.values())))

</pallas_src>

<mosaic_0001>
#map = affine_map<(d0, d1) -> (0, 0)>
module attributes {stable_mosaic.version = 14 : i64} {
  func.func @_slice_copy(%arg0: i32, %arg1: i32, %arg2: memref<16907x512xf32, #tpu.memory_space<hbm>>, %arg3: memref<16906x512xf32, #tpu.memory_space<hbm>>, %arg4: memref<2x1080x512xf32, #tpu.memory_space<vmem_shared>>, %arg5: memref<3x40x512xf32, #tpu.memory_space<vmem>>, %arg6: memref<!tpu.dma_semaphore, #tpu.memory_space<semaphore_mem>>, %arg7: memref<!tpu.dma_semaphore, #tpu.memory_space<semaphore_mem>>, %arg8: memref<!tpu.dma_semaphore, #tpu.memory_space<semaphore_mem>>, %arg9: memref<!tpu.dma_semaphore, #tpu.memory_space<semaphore_mem>>, %arg10: memref<!tpu.dma_semaphore, #tpu.memory_space<semaphore_mem>>, %arg11: memref<!tpu.dma_semaphore, #tpu.memory_space<semaphore_mem>>) attributes {dimension_semantics = [#tpu.dimension_semantics<core_parallel>, #tpu.dimension_semantics<subcore_parallel>], iteration_bounds = array<i64: 2, 16>, scalar_prefetch = 0 : i64, scratch_operands = 8 : i64, tpu.core_type = #tpu.core_type<sc_vector_subcore>, window_params = [{transform_indices = #map}, {transform_indices = #map}]} {
    %eq3A = arith.constant 0 : i32
    %eq3A_0 = arith.cmpi eq, %arg1, %eq3A : i32
    %convert_element_type3A = arith.extui %eq3A_0 : i1 to i32
    %cond3A = arith.constant 0 : i32
    %cond3A_1 = arith.cmpi ne, %convert_element_type3A, %cond3A : i32
    scf.if %cond3A_1 {
      %mul3A = arith.constant 4248 : i32
      %mul3A_6 = arith.muli %arg0, %mul3A : i32
      %add3A = arith.constant 1080 : i32
      %add3A_7 = arith.addi %mul3A_6, %add3A : i32
      %add3A_8 = arith.constant 1056 : i32
      %add3A_9 = arith.addi %add3A_7, %add3A_8 : i32
      %add3A_10 = arith.constant 1056 : i32
      %add3A_11 = arith.addi %add3A_9, %add3A_10 : i32
      %add3A_12 = arith.constant 1056 : i32
      %add3A_13 = arith.addi %add3A_11, %add3A_12 : i32
      %dma_start3A = arith.constant 0 : i32
      %dma_start3A_14 = arith.constant 0 : i32
      %dma_start3A_15 = arith.constant 0 : i32
      %dma_start3A_16 = tpu.memref_slice %arg4[%dma_start3A, %dma_start3A_14, %dma_start3A_15] : memref<2x1080x512xf32, #tpu.memory_space<vmem_shared>> -> memref<1x1080x512xf32, #tpu.memory_space<vmem_shared>>
      %dma_start3A_17 = tpu.memref_squeeze %dma_start3A_16 : memref<1x1080x512xf32, #tpu.memory_space<vmem_shared>> -> memref<1080x512xf32, #tpu.memory_space<vmem_shared>>
      %dma_start3A_18 = arith.constant 0 : i32
      %dma_start3A_19 = tpu.memref_slice %arg2[%mul3A_6, %dma_start3A_18] : memref<16907x512xf32, #tpu.memory_space<hbm>> -> memref<1080x512xf32, #tpu.memory_space<hbm>>
      tpu.enqueue_dma source(%dma_start3A_19 : memref<1080x512xf32, #tpu.memory_space<hbm>>) target(%dma_start3A_17 : memref<1080x512xf32, #tpu.memory_space<vmem_shared>>) target_semaphore(%arg6 : memref<!tpu.dma_semaphore, #tpu.memory_space<semaphore_mem>>)
      %dma_start3A_20 = arith.constant 1 : i32
      %dma_start3A_21 = arith.constant 0 : i32
      %dma_start3A_22 = arith.constant 0 : i32
      %dma_start3A_23 = tpu.memref_slice %arg4[%dma_start3A_20, %dma_start3A_21, %dma_start3A_22] : memref<2x1080x512xf32, #tpu.memory_space<vmem_shared>> -> memref<1x1056x512xf32, #tpu.memory_space<vmem_shared>>
      %dma_start3A_24 = tpu.memref_squeeze %dma_start3A_23 : memref<1x1056x512xf32, #tpu.memory_space<vmem_shared>> -> memref<1056x512xf32, #tpu.memory_space<vmem_shared>>
      %dma_start3A_25 = arith.constant 0 : i32
      %dma_start3A_26 = tpu.memref_slice %arg2[%add3A_7, %dma_start3A_25] : memref<16907x512xf32, #tpu.memory_space<hbm>> -> memref<1056x512xf32, #tpu.memory_space<hbm>>
      tpu.enqueue_dma source(%dma_start3A_26 : memref<1056x512xf32, #tpu.memory_space<hbm>>) target(%dma_start3A_24 : memref<1056x512xf32, #tpu.memory_space<vmem_shared>>) target_semaphore(%arg7 : memref<!tpu.dma_semaphore, #tpu.memory_space<semaphore_mem>>)
      %dma_wait3A = arith.constant 0 : i32
      %dma_wait3A_27 = arith.constant 0 : i32
      %dma_wait3A_28 = arith.constant 0 : i32
      %dma_wait3A_29 = tpu.memref_slice %arg4[%dma_wait3A, %dma_wait3A_27, %dma_wait3A_28] : memref<2x1080x512xf32, #tpu.memory_space<vmem_shared>> -> memref<1x1080x512xf32, #tpu.memory_space<vmem_shared>>
      %dma_wait3A_30 = tpu.memref_squeeze %dma_wait3A_29 : memref<1x1080x512xf32, #tpu.memory_space<vmem_shared>> -> memref<1080x512xf32, #tpu.memory_space<vmem_shared>>
      %dma_wait3A_31 = arith.constant 0 : i32
      %dma_wait3A_32 = tpu.memref_slice %arg2[%mul3A_6, %dma_wait3A_31] : memref<16907x512xf32, #tpu.memory_space<hbm>> -> memref<1080x512xf32, #tpu.memory_space<hbm>>
      tpu.wait_dma2 semaphore(%arg6 : memref<!tpu.dma_semaphore, #tpu.memory_space<semaphore_mem>>) src(%dma_wait3A_32 : memref<1080x512xf32, #tpu.memory_space<hbm>>) dst(%dma_wait3A_30 : memref<1080x512xf32, #tpu.memory_space<vmem_shared>>)
      %dma_start3A_33 = arith.constant 0 : i32
      %dma_start3A_34 = arith.constant 0 : i32
      %dma_start3A_35 = tpu.memref_slice %arg3[%mul3A_6, %dma_start3A_34] : memref<16906x512xf32, #tpu.memory_space<hbm>> -> memref<1080x512xf32, #tpu.memory_space<hbm>>
      %dma_start3A_36 = arith.constant 0 : i32
      %dma_start3A_37 = arith.constant 0 : i32
      %dma_start3A_38 = tpu.memref_slice %arg4[%dma_start3A_33, %dma_start3A_36, %dma_start3A_37] : memref<2x1080x512xf32, #tpu.memory_space<vmem_shared>> -> memref<1x1080x512xf32, #tpu.memory_space<vmem_shared>>
      %dma_start3A_39 = tpu.memref_squeeze %dma_start3A_38 : memref<1x1080x512xf32, #tpu.memory_space<vmem_shared>> -> memref<1080x512xf32, #tpu.memory_space<vmem_shared>>
      tpu.enqueue_dma source(%dma_start3A_39 : memref<1080x512xf32, #tpu.memory_space<vmem_shared>>) target(%dma_start3A_35 : memref<1080x512xf32, #tpu.memory_space<hbm>>) target_semaphore(%arg9 : memref<!tpu.dma_semaphore, #tpu.memory_space<semaphore_mem>>)
      %dma_wait3A_40 = arith.constant 0 : i32
      %dma_wait3A_41 = arith.constant 0 : i32
      %dma_wait3A_42 = tpu.memref_slice %arg3[%mul3A_6, %dma_wait3A_41] : memref<16906x512xf32, #tpu.memory_space<hbm>> -> memref<1080x512xf32, #tpu.memory_space<hbm>>
      %dma_wait3A_43 = arith.constant 0 : i32
      %dma_wait3A_44 = arith.constant 0 : i32
      %dma_wait3A_45 = tpu.memref_slice %arg4[%dma_wait3A_40, %dma_wait3A_43, %dma_wait3A_44] : memref<2x1080x512xf32, #tpu.memory_space<vmem_shared>> -> memref<1x1080x512xf32, #tpu.memory_space<vmem_shared>>
      %dma_wait3A_46 = tpu.memref_squeeze %dma_wait3A_45 : memref<1x1080x512xf32, #tpu.memory_space<vmem_shared>> -> memref<1080x512xf32, #tpu.memory_space<vmem_shared>>
      tpu.wait_dma2 semaphore(%arg9 : memref<!tpu.dma_semaphore, #tpu.memory_space<semaphore_mem>>) src(%dma_wait3A_46 : memref<1080x512xf32, #tpu.memory_space<vmem_shared>>) dst(%dma_wait3A_42 : memref<1080x512xf32, #tpu.memory_space<hbm>>)
      %dma_start3A_47 = arith.constant 0 : i32
      %dma_start3A_48 = arith.constant 0 : i32
      %dma_start3A_49 = arith.constant 0 : i32
      %dma_start3A_50 = tpu.memref_slice %arg4[%dma_start3A_47, %dma_start3A_48, %dma_start3A_49] : memref<2x1080x512xf32, #tpu.memory_space<vmem_shared>> -> memref<1x1056x512xf32, #tpu.memory_space<vmem_shared>>
      %dma_start3A_51 = tpu.memref_squeeze %dma_start3A_50 : memref<1x1056x512xf32, #tpu.memory_space<vmem_shared>> -> memref<1056x512xf32, #tpu.memory_space<vmem_shared>>
      %dma_start3A_52 = arith.constant 0 : i32
      %dma_start3A_53 = tpu.memref_slice %arg2[%add3A_9, %dma_start3A_52] : memref<16907x512xf32, #tpu.memory_space<hbm>> -> memref<1056x512xf32, #tpu.memory_space<hbm>>
      tpu.enqueue_dma source(%dma_start3A_53 : memref<1056x512xf32, #tpu.memory_space<hbm>>) target(%dma_start3A_51 : memref<1056x512xf32, #tpu.memory_space<vmem_shared>>) target_semaphore(%arg6 : memref<!tpu.dma_semaphore, #tpu.memory_space<semaphore_mem>>)
      %dma_wait3A_54 = arith.constant 1 : i32
      %dma_wait3A_55 = arith.constant 0 : i32
      %dma_wait3A_56 = arith.constant 0 : i32
      %dma_wait3A_57 = tpu.memref_slice %arg4[%dma_wait3A_54, %dma_wait3A_55, %dma_wait3A_56] : memref<2x1080x512xf32, #tpu.memory_space<vmem_shared>> -> memref<1x1056x512xf32, #tpu.memory_space<vmem_shared>>
      %dma_wait3A_58 = tpu.memref_squeeze %dma_wait3A_57 : memref<1x1056x512xf32, #tpu.memory_space<vmem_shared>> -> memref<1056x512xf32, #tpu.memory_space<vmem_shared>>
      %dma_wait3A_59 = arith.constant 0 : i32
      %dma_wait3A_60 = tpu.memref_slice %arg2[%add3A_7, %dma_wait3A_59] : memref<16907x512xf32, #tpu.memory_space<hbm>> -> memref<1056x512xf32, #tpu.memory_space<hbm>>
      tpu.wait_dma2 semaphore(%arg7 : memref<!tpu.dma_semaphore, #tpu.memory_space<semaphore_mem>>) src(%dma_wait3A_60 : memref<1056x512xf32, #tpu.memory_space<hbm>>) dst(%dma_wait3A_58 : memref<1056x512xf32, #tpu.memory_space<vmem_shared>>)
      %dma_start3A_61 = arith.constant 1 : i32
      %dma_start3A_62 = arith.constant 0 : i32
      %dma_start3A_63 = tpu.memref_slice %arg3[%add3A_7, %dma_start3A_62] : memref<16906x512xf32, #tpu.memory_space<hbm>> -> memref<1056x512xf32, #tpu.memory_space<hbm>>
      %dma_start3A_64 = arith.constant 0 : i32
      %dma_start3A_65 = arith.constant 0 : i32
      %dma_start3A_66 = tpu.memref_slice %arg4[%dma_start3A_61, %dma_start3A_64, %dma_start3A_65] : memref<2x1080x512xf32, #tpu.memory_space<vmem_shared>> -> memref<1x1056x512xf32, #tpu.memory_space<vmem_shared>>
      %dma_start3A_67 = tpu.memref_squeeze %dma_start3A_66 : memref<1x1056x512xf32, #tpu.memory_space<vmem_shared>> -> memref<1056x512xf32, #tpu.memory_space<vmem_shared>>
      tpu.enqueue_dma source(%dma_start3A_67 : memref<1056x512xf32, #tpu.memory_space<vmem_shared>>) target(%dma_start3A_63 : memref<1056x512xf32, #tpu.memory_space<hbm>>) target_semaphore(%arg10 : memref<!tpu.dma_semaphore, #tpu.memory_space<semaphore_mem>>)
      %dma_wait3A_68 = arith.constant 1 : i32
      %dma_wait3A_69 = arith.constant 0 : i32
      %dma_wait3A_70 = tpu.memref_slice %arg3[%add3A_7, %dma_wait3A_69] : memref<16906x512xf32, #tpu.memory_space<hbm>> -> memref<1056x512xf32, #tpu.memory_space<hbm>>
      %dma_wait3A_71 = arith.constant 0 : i32
      %dma_wait3A_72 = arith.constant 0 : i32
      %dma_wait3A_73 = tpu.memref_slice %arg4[%dma_wait3A_68, %dma_wait3A_71, %dma_wait3A_72] : memref<2x1080x512xf32, #tpu.memory_space<vmem_shared>> -> memref<1x1056x512xf32, #tpu.memory_space<vmem_shared>>
      %dma_wait3A_74 = tpu.memref_squeeze %dma_wait3A_73 : memref<1x1056x512xf32, #tpu.memory_space<vmem_shared>> -> memref<1056x512xf32, #tpu.memory_space<vmem_shared>>
      tpu.wait_dma2 semaphore(%arg10 : memref<!tpu.dma_semaphore, #tpu.memory_space<semaphore_mem>>) src(%dma_wait3A_74 : memref<1056x512xf32, #tpu.memory_space<vmem_shared>>) dst(%dma_wait3A_70 : memref<1056x512xf32, #tpu.memory_space<hbm>>)
      %dma_start3A_75 = arith.constant 1 : i32
      %dma_start3A_76 = arith.constant 0 : i32
      %dma_start3A_77 = arith.constant 0 : i32
      %dma_start3A_78 = tpu.memref_slice %arg4[%dma_start3A_75, %dma_start3A_76, %dma_start3A_77] : memref<2x1080x512xf32, #tpu.memory_space<vmem_shared>> -> memref<1x1056x512xf32, #tpu.memory_space<vmem_shared>>
      %dma_start3A_79 = tpu.memref_squeeze %dma_start3A_78 : memref<1x1056x512xf32, #tpu.memory_space<vmem_shared>> -> memref<1056x512xf32, #tpu.memory_space<vmem_shared>>
      %dma_start3A_80 = arith.constant 0 : i32
      %dma_start3A_81 = tpu.memref_slice %arg2[%add3A_11, %dma_start3A_80] : memref<16907x512xf32, #tpu.memory_space<hbm>> -> memref<1056x512xf32, #tpu.memory_space<hbm>>
      tpu.enqueue_dma source(%dma_start3A_81 : memref<1056x512xf32, #tpu.memory_space<hbm>>) target(%dma_start3A_79 : memref<1056x512xf32, #tpu.memory_space<vmem_shared>>) target_semaphore(%arg7 : memref<!tpu.dma_semaphore, #tpu.memory_space<semaphore_mem>>)
      %dma_wait3A_82 = arith.constant 0 : i32
      %dma_wait3A_83 = arith.constant 0 : i32
      %dma_wait3A_84 = arith.constant 0 : i32
      %dma_wait3A_85 = tpu.memref_slice %arg4[%dma_wait3A_82, %dma_wait3A_83, %dma_wait3A_84] : memref<2x1080x512xf32, #tpu.memory_space<vmem_shared>> -> memref<1x1056x512xf32, #tpu.memory_space<vmem_shared>>
      %dma_wait3A_86 = tpu.memref_squeeze %dma_wait3A_85 : memref<1x1056x512xf32, #tpu.memory_space<vmem_shared>> -> memref<1056x512xf32, #tpu.memory_space<vmem_shared>>
      %dma_wait3A_87 = arith.constant 0 : i32
      %dma_wait3A_88 = tpu.memref_slice %arg2[%add3A_9, %dma_wait3A_87] : memref<16907x512xf32, #tpu.memory_space<hbm>> -> memref<1056x512xf32, #tpu.memory_space<hbm>>
      tpu.wait_dma2 semaphore(%arg6 : memref<!tpu.dma_semaphore, #tpu.memory_space<semaphore_mem>>) src(%dma_wait3A_88 : memref<1056x512xf32, #tpu.memory_space<hbm>>) dst(%dma_wait3A_86 : memref<1056x512xf32, #tpu.memory_space<vmem_shared>>)
      %dma_start3A_89 = arith.constant 0 : i32
      %dma_start3A_90 = arith.constant 0 : i32
      %dma_start3A_91 = tpu.memref_slice %arg3[%add3A_9, %dma_start3A_90] : memref<16906x512xf32, #tpu.memory_space<hbm>> -> memref<1056x512xf32, #tpu.memory_space<hbm>>
      %dma_start3A_92 = arith.constant 0 : i32
      %dma_start3A_93 = arith.constant 0 : i32
      %dma_start3A_94 = tpu.memref_slice %arg4[%dma_start3A_89, %dma_start3A_92, %dma_start3A_93] : memref<2x1080x512xf32, #tpu.memory_space<vmem_shared>> -> memref<1x1056x512xf32, #tpu.memory_space<vmem_shared>>
      %dma_start3A_95 = tpu.memref_squeeze %dma_start3A_94 : memref<1x1056x512xf32, #tpu.memory_space<vmem_shared>> -> memref<1056x512xf32, #tpu.memory_space<vmem_shared>>
      tpu.enqueue_dma source(%dma_start3A_95 : memref<1056x512xf32, #tpu.memory_space<vmem_shared>>) target(%dma_start3A_91 : memref<1056x512xf32, #tpu.memory_space<hbm>>) target_semaphore(%arg9 : memref<!tpu.dma_semaphore, #tpu.memory_space<semaphore_mem>>)
      %dma_wait3A_96 = arith.constant 1 : i32
      %dma_wait3A_97 = arith.constant 0 : i32
      %dma_wait3A_98 = arith.constant 0 : i32
      %dma_wait3A_99 = tpu.memref_slice %arg4[%dma_wait3A_96, %dma_wait3A_97, %dma_wait3A_98] : memref<2x1080x512xf32, #tpu.memory_space<vmem_shared>> -> memref<1x1056x512xf32, #tpu.memory_space<vmem_shared>>
      %dma_wait3A_100 = tpu.memref_squeeze %dma_wait3A_99 : memref<1x1056x512xf32, #tpu.memory_space<vmem_shared>> -> memref<1056x512xf32, #tpu.memory_space<vmem_shared>>
      %dma_wait3A_101 = arith.constant 0 : i32
      %dma_wait3A_102 = tpu.memref_slice %arg2[%add3A_11, %dma_wait3A_101] : memref<16907x512xf32, #tpu.memory_space<hbm>> -> memref<1056x512xf32, #tpu.memory_space<hbm>>
      tpu.wait_dma2 semaphore(%arg7 : memref<!tpu.dma_semaphore, #tpu.memory_space<semaphore_mem>>) src(%dma_wait3A_102 : memref<1056x512xf32, #tpu.memory_space<hbm>>) dst(%dma_wait3A_100 : memref<1056x512xf32, #tpu.memory_space<vmem_shared>>)
      %dma_start3A_103 = arith.constant 1 : i32
      %dma_start3A_104 = arith.constant 0 : i32
      %dma_start3A_105 = tpu.memref_slice %arg3[%add3A_11, %dma_start3A_104] : memref<16906x512xf32, #tpu.memory_space<hbm>> -> memref<1056x512xf32, #tpu.memory_space<hbm>>
      %dma_start3A_106 = arith.constant 0 : i32
      %dma_start3A_107 = arith.constant 0 : i32
      %dma_start3A_108 = tpu.memref_slice %arg4[%dma_start3A_103, %dma_start3A_106, %dma_start3A_107] : memref<2x1080x512xf32, #tpu.memory_space<vmem_shared>> -> memref<1x1056x512xf32, #tpu.memory_space<vmem_shared>>
      %dma_start3A_109 = tpu.memref_squeeze %dma_start3A_108 : memref<1x1056x512xf32, #tpu.memory_space<vmem_shared>> -> memref<1056x512xf32, #tpu.memory_space<vmem_shared>>
      tpu.enqueue_dma source(%dma_start3A_109 : memref<1056x512xf32, #tpu.memory_space<vmem_shared>>) target(%dma_start3A_105 : memref<1056x512xf32, #tpu.memory_space<hbm>>) target_semaphore(%arg10 : memref<!tpu.dma_semaphore, #tpu.memory_space<semaphore_mem>>)
      %dma_wait3A_110 = arith.constant 0 : i32
      %dma_wait3A_111 = arith.constant 0 : i32
      %dma_wait3A_112 = tpu.memref_slice %arg3[%add3A_9, %dma_wait3A_111] : memref<16906x512xf32, #tpu.memory_space<hbm>> -> memref<1056x512xf32, #tpu.memory_space<hbm>>
      %dma_wait3A_113 = arith.constant 0 : i32
      %dma_wait3A_114 = arith.constant 0 : i32
      %dma_wait3A_115 = tpu.memref_slice %arg4[%dma_wait3A_110, %dma_wait3A_113, %dma_wait3A_114] : memref<2x1080x512xf32, #tpu.memory_space<vmem_shared>> -> memref<1x1056x512xf32, #tpu.memory_space<vmem_shared>>
      %dma_wait3A_116 = tpu.memref_squeeze %dma_wait3A_115 : memref<1x1056x512xf32, #tpu.memory_space<vmem_shared>> -> memref<1056x512xf32, #tpu.memory_space<vmem_shared>>
      tpu.wait_dma2 semaphore(%arg9 : memref<!tpu.dma_semaphore, #tpu.memory_space<semaphore_mem>>) src(%dma_wait3A_116 : memref<1056x512xf32, #tpu.memory_space<vmem_shared>>) dst(%dma_wait3A_112 : memref<1056x512xf32, #tpu.memory_space<hbm>>)
      %dma_wait3A_117 = arith.constant 1 : i32
      %dma_wait3A_118 = arith.constant 0 : i32
      %dma_wait3A_119 = tpu.memref_slice %arg3[%add3A_11, %dma_wait3A_118] : memref<16906x512xf32, #tpu.memory_space<hbm>> -> memref<1056x512xf32, #tpu.memory_space<hbm>>
      %dma_wait3A_120 = arith.constant 0 : i32
      %dma_wait3A_121 = arith.constant 0 : i32
      %dma_wait3A_122 = tpu.memref_slice %arg4[%dma_wait3A_117, %dma_wait3A_120, %dma_wait3A_121] : memref<2x1080x512xf32, #tpu.memory_space<vmem_shared>> -> memref<1x1056x512xf32, #tpu.memory_space<vmem_shared>>
      %dma_wait3A_123 = tpu.memref_squeeze %dma_wait3A_122 : memref<1x1056x512xf32, #tpu.memory_space<vmem_shared>> -> memref<1056x512xf32, #tpu.memory_space<vmem_shared>>
      tpu.wait_dma2 semaphore(%arg10 : memref<!tpu.dma_semaphore, #tpu.memory_space<semaphore_mem>>) src(%dma_wait3A_123 : memref<1056x512xf32, #tpu.memory_space<vmem_shared>>) dst(%dma_wait3A_119 : memref<1056x512xf32, #tpu.memory_space<hbm>>)
    } else {
    }
    %gt3A = arith.constant 0 : i32
    %gt3A_2 = arith.cmpi sgt, %arg1, %gt3A : i32
    %convert_element_type3A_3 = arith.extui %gt3A_2 : i1 to i32
    %cond3A_4 = arith.constant 0 : i32
    %cond3A_5 = arith.cmpi ne, %convert_element_type3A_3, %cond3A_4 : i32
    scf.if %cond3A_5 {
      %sub3A = arith.constant 1 : i32
      %sub3A_6 = arith.subi %arg1, %sub3A : i32
      %mul3A = arith.constant 2 : i32
      %mul3A_7 = arith.muli %sub3A_6, %mul3A : i32
      %add3A = arith.addi %mul3A_7, %arg0 : i32
      %mul3A_8 = arith.constant 280 : i32
      %mul3A_9 = arith.muli %add3A, %mul3A_8 : i32
      %add3A_10 = arith.constant 8496 : i32
      %add3A_11 = arith.addi %add3A_10, %mul3A_9 : i32
      %add3A_12 = arith.constant 40 : i32
      %add3A_13 = arith.addi %add3A_11, %add3A_12 : i32
      %add3A_14 = arith.constant 40 : i32
      %add3A_15 = arith.addi %add3A_13, %add3A_14 : i32
      %add3A_16 = arith.constant 40 : i32
      %add3A_17 = arith.addi %add3A_15, %add3A_16 : i32
      %add3A_18 = arith.constant 40 : i32
      %add3A_19 = arith.addi %add3A_17, %add3A_18 : i32
      %add3A_20 = arith.constant 40 : i32
      %add3A_21 = arith.addi %add3A_19, %add3A_20 : i32
      %add3A_22 = arith.constant 40 : i32
      %add3A_23 = arith.addi %add3A_21, %add3A_22 : i32
      %add3A_24 = arith.constant 40 : i32
      %add3A_25 = arith.addi %add3A_23, %add3A_24 : i32
      %dma_start3A = arith.constant 0 : i32
      %dma_start3A_26 = arith.constant 0 : i32
      %dma_start3A_27 = arith.constant 0 : i32
      %dma_start3A_28 = tpu.memref_slice %arg5[%dma_start3A, %dma_start3A_26, %dma_start3A_27] : memref<3x40x512xf32, #tpu.memory_space<vmem>> -> memref<1x40x512xf32, #tpu.memory_space<vmem>>
      %dma_start3A_29 = tpu.memref_squeeze %dma_start3A_28 : memref<1x40x512xf32, #tpu.memory_space<vmem>> -> memref<40x512xf32, #tpu.memory_space<vmem>>
      %dma_start3A_30 = arith.constant 0 : i32
      %dma_start3A_31 = tpu.memref_slice %arg2[%add3A_11, %dma_start3A_30] : memref<16907x512xf32, #tpu.memory_space<hbm>> -> memref<40x512xf32, #tpu.memory_space<hbm>>
      %dma_start3A_32 = arith.constant 0 : i32
      %dma_start3A_33 = arith.constant 0 : i32
      %dma_start3A_34 = tpu.memref_slice %arg5[%dma_start3A, %dma_start3A_32, %dma_start3A_33] : memref<3x40x512xf32, #tpu.memory_space<vmem>> -> memref<1x40x512xf32, #tpu.memory_space<vmem>>
      %dma_start3A_35 = tpu.memref_squeeze %dma_start3A_34 : memref<1x40x512xf32, #tpu.memory_space<vmem>> -> memref<40x512xf32, #tpu.memory_space<vmem>>
      %dma_start3A_36 = arith.constant 0 : i32
      %dma_start3A_37 = tpu.memref_slice %arg2[%add3A_11, %dma_start3A_36] : memref<16907x512xf32, #tpu.memory_space<hbm>> -> memref<40x512xf32, #tpu.memory_space<hbm>>
      tpu.enqueue_dma source(%dma_start3A_37 : memref<40x512xf32, #tpu.memory_space<hbm>>) target(%dma_start3A_35 : memref<40x512xf32, #tpu.memory_space<vmem>>) target_semaphore(%arg6 : memref<!tpu.dma_semaphore, #tpu.memory_space<semaphore_mem>>)
      %dma_start3A_38 = arith.constant 1 : i32
      %dma_start3A_39 = arith.constant 0 : i32
      %dma_start3A_40 = arith.constant 0 : i32
      %dma_start3A_41 = tpu.memref_slice %arg5[%dma_start3A_38, %dma_start3A_39, %dma_start3A_40] : memref<3x40x512xf32, #tpu.memory_space<vmem>> -> memref<1x40x512xf32, #tpu.memory_space<vmem>>
      %dma_start3A_42 = tpu.memref_squeeze %dma_start3A_41 : memref<1x40x512xf32, #tpu.memory_space<vmem>> -> memref<40x512xf32, #tpu.memory_space<vmem>>
      %dma_start3A_43 = arith.constant 0 : i32
      %dma_start3A_44 = tpu.memref_slice %arg2[%add3A_13, %dma_start3A_43] : memref<16907x512xf32, #tpu.memory_space<hbm>> -> memref<40x512xf32, #tpu.memory_space<hbm>>
      %dma_start3A_45 = arith.constant 0 : i32
      %dma_start3A_46 = arith.constant 0 : i32
      %dma_start3A_47 = tpu.memref_slice %arg5[%dma_start3A_38, %dma_start3A_45, %dma_start3A_46] : memref<3x40x512xf32, #tpu.memory_space<vmem>> -> memref<1x40x512xf32, #tpu.memory_space<vmem>>
      %dma_start3A_48 = tpu.memref_squeeze %dma_start3A_47 : memref<1x40x512xf32, #tpu.memory_space<vmem>> -> memref<40x512xf32, #tpu.memory_space<vmem>>
      %dma_start3A_49 = arith.constant 0 : i32
      %dma_start3A_50 = tpu.memref_slice %arg2[%add3A_13, %dma_start3A_49] : memref<16907x512xf32, #tpu.memory_space<hbm>> -> memref<40x512xf32, #tpu.memory_space<hbm>>
      tpu.enqueue_dma source(%dma_start3A_50 : memref<40x512xf32, #tpu.memory_space<hbm>>) target(%dma_start3A_48 : memref<40x512xf32, #tpu.memory_space<vmem>>) target_semaphore(%arg7 : memref<!tpu.dma_semaphore, #tpu.memory_space<semaphore_mem>>)
      %dma_start3A_51 = arith.constant 2 : i32
      %dma_start3A_52 = arith.constant 0 : i32
      %dma_start3A_53 = arith.constant 0 : i32
      %dma_start3A_54 = tpu.memref_slice %arg5[%dma_start3A_51, %dma_start3A_52, %dma_start3A_53] : memref<3x40x512xf32, #tpu.memory_space<vmem>> -> memref<1x40x512xf32, #tpu.memory_space<vmem>>
      %dma_start3A_55 = tpu.memref_squeeze %dma_start3A_54 : memref<1x40x512xf32, #tpu.memory_space<vmem>> -> memref<40x512xf32, #tpu.memory_space<vmem>>
      %dma_start3A_56 = arith.constant 0 : i32
      %dma_start3A_57 = tpu.memref_slice %arg2[%add3A_15, %dma_start3A_56] : memref<16907x512xf32, #tpu.memory_space<hbm>> -> memref<40x512xf32, #tpu.memory_space<hbm>>
      %dma_start3A_58 = arith.constant 0 : i32
      %dma_start3A_59 = arith.constant 0 : i32
      %dma_start3A_60 = tpu.memref_slice %arg5[%dma_start3A_51, %dma_start3A_58, %dma_start3A_59] : memref<3x40x512xf32, #tpu.memory_space<vmem>> -> memref<1x40x512xf32, #tpu.memory_space<vmem>>
      %dma_start3A_61 = tpu.memref_squeeze %dma_start3A_60 : memref<1x40x512xf32, #tpu.memory_space<vmem>> -> memref<40x512xf32, #tpu.memory_space<vmem>>
      %dma_start3A_62 = arith.constant 0 : i32
      %dma_start3A_63 = tpu.memref_slice %arg2[%add3A_15, %dma_start3A_62] : memref<16907x512xf32, #tpu.memory_space<hbm>> -> memref<40x512xf32, #tpu.memory_space<hbm>>
      tpu.enqueue_dma source(%dma_start3A_63 : memref<40x512xf32, #tpu.memory_space<hbm>>) target(%dma_start3A_61 : memref<40x512xf32, #tpu.memory_space<vmem>>) target_semaphore(%arg8 : memref<!tpu.dma_semaphore, #tpu.memory_space<semaphore_mem>>)
      %dma_wait3A = arith.constant 0 : i32
      %dma_wait3A_64 = arith.constant 0 : i32
      %dma_wait3A_65 = arith.constant 0 : i32
      %dma_wait3A_66 = tpu.memref_slice %arg5[%dma_wait3A, %dma_wait3A_64, %dma_wait3A_65] : memref<3x40x512xf32, #tpu.memory_space<vmem>> -> memref<1x40x512xf32, #tpu.memory_space<vmem>>
      %dma_wait3A_67 = tpu.memref_squeeze %dma_wait3A_66 : memref<1x40x512xf32, #tpu.memory_space<vmem>> -> memref<40x512xf32, #tpu.memory_space<vmem>>
      %dma_wait3A_68 = arith.constant 0 : i32
      %dma_wait3A_69 = tpu.memref_slice %arg2[%add3A_11, %dma_wait3A_68] : memref<16907x512xf32, #tpu.memory_space<hbm>> -> memref<40x512xf32, #tpu.memory_space<hbm>>
      %dma_wait3A_70 = arith.constant 0 : i32
      %dma_wait3A_71 = arith.constant 0 : i32
      %dma_wait3A_72 = tpu.memref_slice %arg5[%dma_wait3A, %dma_wait3A_70, %dma_wait3A_71] : memref<3x40x512xf32, #tpu.memory_space<vmem>> -> memref<1x40x512xf32, #tpu.memory_space<vmem>>
      %dma_wait3A_73 = tpu.memref_squeeze %dma_wait3A_72 : memref<1x40x512xf32, #tpu.memory_space<vmem>> -> memref<40x512xf32, #tpu.memory_space<vmem>>
      %dma_wait3A_74 = arith.constant 0 : i32
      %dma_wait3A_75 = tpu.memref_slice %arg2[%add3A_11, %dma_wait3A_74] : memref<16907x512xf32, #tpu.memory_space<hbm>> -> memref<40x512xf32, #tpu.memory_space<hbm>>
      tpu.wait_dma2 semaphore(%arg6 : memref<!tpu.dma_semaphore, #tpu.memory_space<semaphore_mem>>) src(%dma_wait3A_75 : memref<40x512xf32, #tpu.memory_space<hbm>>) dst(%dma_wait3A_73 : memref<40x512xf32, #tpu.memory_space<vmem>>)
      %dma_start3A_76 = arith.constant 0 : i32
      %dma_start3A_77 = arith.constant 0 : i32
      %dma_start3A_78 = arith.constant 0 : i32
      %dma_start3A_79 = tpu.memref_slice %arg5[%dma_start3A_76, %dma_start3A_77, %dma_start3A_78] : memref<3x40x512xf32, #tpu.memory_space<vmem>> -> memref<1x40x512xf32, #tpu.memory_space<vmem>>
      %dma_start3A_80 = tpu.memref_squeeze %dma_start3A_79 : memref<1x40x512xf32, #tpu.memory_space<vmem>> -> memref<40x512xf32, #tpu.memory_space<vmem>>
      %dma_start3A_81 = arith.constant 0 : i32
      %dma_start3A_82 = tpu.memref_slice %arg3[%add3A_11, %dma_start3A_81] : memref<16906x512xf32, #tpu.memory_space<hbm>> -> memref<40x512xf32, #tpu.memory_space<hbm>>
      %dma_start3A_83 = arith.constant 0 : i32
      %dma_start3A_84 = tpu.memref_slice %arg3[%add3A_11, %dma_start3A_83] : memref<16906x512xf32, #tpu.memory_space<hbm>> -> memref<40x512xf32, #tpu.memory_space<hbm>>
      %dma_start3A_85 = arith.constant 0 : i32
      %dma_start3A_86 = arith.constant 0 : i32
      %dma_start3A_87 = tpu.memref_slice %arg5[%dma_start3A_76, %dma_start3A_85, %dma_start3A_86] : memref<3x40x512xf32, #tpu.memory_space<vmem>> -> memref<1x40x512xf32, #tpu.memory_space<vmem>>
      %dma_start3A_88 = tpu.memref_squeeze %dma_start3A_87 : memref<1x40x512xf32, #tpu.memory_space<vmem>> -> memref<40x512xf32, #tpu.memory_space<vmem>>
      tpu.enqueue_dma source(%dma_start3A_88 : memref<40x512xf32, #tpu.memory_space<vmem>>) target(%dma_start3A_84 : memref<40x512xf32, #tpu.memory_space<hbm>>) target_semaphore(%arg9 : memref<!tpu.dma_semaphore, #tpu.memory_space<semaphore_mem>>)
      %dma_wait3A_89 = arith.constant 0 : i32
      %dma_wait3A_90 = arith.constant 0 : i32
      %dma_wait3A_91 = arith.constant 0 : i32
      %dma_wait3A_92 = tpu.memref_slice %arg5[%dma_wait3A_89, %dma_wait3A_90, %dma_wait3A_91] : memref<3x40x512xf32, #tpu.memory_space<vmem>> -> memref<1x40x512xf32, #tpu.memory_space<vmem>>
      %dma_wait3A_93 = tpu.memref_squeeze %dma_wait3A_92 : memref<1x40x512xf32, #tpu.memory_space<vmem>> -> memref<40x512xf32, #tpu.memory_space<vmem>>
      %dma_wait3A_94 = arith.constant 0 : i32
      %dma_wait3A_95 = tpu.memref_slice %arg3[%add3A_11, %dma_wait3A_94] : memref<16906x512xf32, #tpu.memory_space<hbm>> -> memref<40x512xf32, #tpu.memory_space<hbm>>
      %dma_wait3A_96 = arith.constant 0 : i32
      %dma_wait3A_97 = tpu.memref_slice %arg3[%add3A_11, %dma_wait3A_96] : memref<16906x512xf32, #tpu.memory_space<hbm>> -> memref<40x512xf32, #tpu.memory_space<hbm>>
      %dma_wait3A_98 = arith.constant 0 : i32
      %dma_wait3A_99 = arith.constant 0 : i32
      %dma_wait3A_100 = tpu.memref_slice %arg5[%dma_wait3A_89, %dma_wait3A_98, %dma_wait3A_99] : memref<3x40x512xf32, #tpu.memory_space<vmem>> -> memref<1x40x512xf32, #tpu.memory_space<vmem>>
      %dma_wait3A_101 = tpu.memref_squeeze %dma_wait3A_100 : memref<1x40x512xf32, #tpu.memory_space<vmem>> -> memref<40x512xf32, #tpu.memory_space<vmem>>
      tpu.wait_dma2 semaphore(%arg9 : memref<!tpu.dma_semaphore, #tpu.memory_space<semaphore_mem>>) src(%dma_wait3A_101 : memref<40x512xf32, #tpu.memory_space<vmem>>) dst(%dma_wait3A_97 : memref<40x512xf32, #tpu.memory_space<hbm>>)
      %dma_start3A_102 = arith.constant 0 : i32
      %dma_start3A_103 = arith.constant 0 : i32
      %dma_start3A_104 = arith.constant 0 : i32
      %dma_start3A_105 = tpu.memref_slice %arg5[%dma_start3A_102, %dma_start3A_103, %dma_start3A_104] : memref<3x40x512xf32, #tpu.memory_space<vmem>> -> memref<1x40x512xf32, #tpu.memory_space<vmem>>
      %dma_start3A_106 = tpu.memref_squeeze %dma_start3A_105 : memref<1x40x512xf32, #tpu.memory_space<vmem>> -> memref<40x512xf32, #tpu.memory_space<vmem>>
      %dma_start3A_107 = arith.constant 0 : i32
      %dma_start3A_108 = tpu.memref_slice %arg2[%add3A_17, %dma_start3A_107] : memref<16907x512xf32, #tpu.memory_space<hbm>> -> memref<40x512xf32, #tpu.memory_space<hbm>>
      %dma_start3A_109 = arith.constant 0 : i32
      %dma_start3A_110 = arith.constant 0 : i32
      %dma_start3A_111 = tpu.memref_slice %arg5[%dma_start3A_102, %dma_start3A_109, %dma_start3A_110] : memref<3x40x512xf32, #tpu.memory_space<vmem>> -> memref<1x40x512xf32, #tpu.memory_space<vmem>>
      %dma_start3A_112 = tpu.memref_squeeze %dma_start3A_111 : memref<1x40x512xf32, #tpu.memory_space<vmem>> -> memref<40x512xf32, #tpu.memory_space<vmem>>
      %dma_start3A_113 = arith.constant 0 : i32
      %dma_start3A_114 = tpu.memref_slice %arg2[%add3A_17, %dma_start3A_113] : memref<16907x512xf32, #tpu.memory_space<hbm>> -> memref<40x512xf32, #tpu.memory_space<hbm>>
      tpu.enqueue_dma source(%dma_start3A_114 : memref<40x512xf32, #tpu.memory_space<hbm>>) target(%dma_start3A_112 : memref<40x512xf32, #tpu.memory_space<vmem>>) target_semaphore(%arg6 : memref<!tpu.dma_semaphore, #tpu.memory_space<semaphore_mem>>)
      %dma_wait3A_115 = arith.constant 1 : i32
      %dma_wait3A_116 = arith.constant 0 : i32
      %dma_wait3A_117 = arith.constant 0 : i32
      %dma_wait3A_118 = tpu.memref_slice %arg5[%dma_wait3A_115, %dma_wait3A_116, %dma_wait3A_117] : memref<3x40x512xf32, #tpu.memory_space<vmem>> -> memref<1x40x512xf32, #tpu.memory_space<vmem>>
      %dma_wait3A_119 = tpu.memref_squeeze %dma_wait3A_118 : memref<1x40x512xf32, #tpu.memory_space<vmem>> -> memref<40x512xf32, #tpu.memory_space<vmem>>
      %dma_wait3A_120 = arith.constant 0 : i32
      %dma_wait3A_121 = tpu.memref_slice %arg2[%add3A_13, %dma_wait3A_120] : memref<16907x512xf32, #tpu.memory_space<hbm>> -> memref<40x512xf32, #tpu.memory_space<hbm>>
      %dma_wait3A_122 = arith.constant 0 : i32
      %dma_wait3A_123 = arith.constant 0 : i32
      %dma_wait3A_124 = tpu.memref_slice %arg5[%dma_wait3A_115, %dma_wait3A_122, %dma_wait3A_123] : memref<3x40x512xf32, #tpu.memory_space<vmem>> -> memref<1x40x512xf32, #tpu.memory_space<vmem>>
      %dma_wait3A_125 = tpu.memref_squeeze %dma_wait3A_124 : memref<1x40x512xf32, #tpu.memory_space<vmem>> -> memref<40x512xf32, #tpu.memory_space<vmem>>
      %dma_wait3A_126 = arith.constant 0 : i32
      %dma_wait3A_127 = tpu.memref_slice %arg2[%add3A_13, %dma_wait3A_126] : memref<16907x512xf32, #tpu.memory_space<hbm>> -> memref<40x512xf32, #tpu.memory_space<hbm>>
      tpu.wait_dma2 semaphore(%arg7 : memref<!tpu.dma_semaphore, #tpu.memory_space<semaphore_mem>>) src(%dma_wait3A_127 : memref<40x512xf32, #tpu.memory_space<hbm>>) dst(%dma_wait3A_125 : memref<40x512xf32, #tpu.memory_space<vmem>>)
      %dma_start3A_128 = arith.constant 1 : i32
      %dma_start3A_129 = arith.constant 0 : i32
      %dma_start3A_130 = arith.constant 0 : i32
      %dma_start3A_131 = tpu.memref_slice %arg5[%dma_start3A_128, %dma_start3A_129, %dma_start3A_130] : memref<3x40x512xf32, #tpu.memory_space<vmem>> -> memref<1x40x512xf32, #tpu.memory_space<vmem>>
      %dma_start3A_132 = tpu.memref_squeeze %dma_start3A_131 : memref<1x40x512xf32, #tpu.memory_space<vmem>> -> memref<40x512xf32, #tpu.memory_space<vmem>>
      %dma_start3A_133 = arith.constant 0 : i32
      %dma_start3A_134 = tpu.memref_slice %arg3[%add3A_13, %dma_start3A_133] : memref<16906x512xf32, #tpu.memory_space<hbm>> -> memref<40x512xf32, #tpu.memory_space<hbm>>
      %dma_start3A_135 = arith.constant 0 : i32
      %dma_start3A_136 = tpu.memref_slice %arg3[%add3A_13, %dma_start3A_135] : memref<16906x512xf32, #tpu.memory_space<hbm>> -> memref<40x512xf32, #tpu.memory_space<hbm>>
      %dma_start3A_137 = arith.constant 0 : i32
      %dma_start3A_138 = arith.constant 0 : i32
      %dma_start3A_139 = tpu.memref_slice %arg5[%dma_start3A_128, %dma_start3A_137, %dma_start3A_138] : memref<3x40x512xf32, #tpu.memory_space<vmem>> -> memref<1x40x512xf32, #tpu.memory_space<vmem>>
      %dma_start3A_140 = tpu.memref_squeeze %dma_start3A_139 : memref<1x40x512xf32, #tpu.memory_space<vmem>> -> memref<40x512xf32, #tpu.memory_space<vmem>>
      tpu.enqueue_dma source(%dma_start3A_140 : memref<40x512xf32, #tpu.memory_space<vmem>>) target(%dma_start3A_136 : memref<40x512xf32, #tpu.memory_space<hbm>>) target_semaphore(%arg10 : memref<!tpu.dma_semaphore, #tpu.memory_space<semaphore_mem>>)
      %dma_wait3A_141 = arith.constant 1 : i32
      %dma_wait3A_142 = arith.constant 0 : i32
      %dma_wait3A_143 = arith.constant 0 : i32
      %dma_wait3A_144 = tpu.memref_slice %arg5[%dma_wait3A_141, %dma_wait3A_142, %dma_wait3A_143] : memref<3x40x512xf32, #tpu.memory_space<vmem>> -> memref<1x40x512xf32, #tpu.memory_space<vmem>>
      %dma_wait3A_145 = tpu.memref_squeeze %dma_wait3A_144 : memref<1x40x512xf32, #tpu.memory_space<vmem>> -> memref<40x512xf32, #tpu.memory_space<vmem>>
      %dma_wait3A_146 = arith.constant 0 : i32
      %dma_wait3A_147 = tpu.memref_slice %arg3[%add3A_13, %dma_wait3A_146] : memref<16906x512xf32, #tpu.memory_space<hbm>> -> memref<40x512xf32, #tpu.memory_space<hbm>>
      %dma_wait3A_148 = arith.constant 0 : i32
      %dma_wait3A_149 = tpu.memref_slice %arg3[%add3A_13, %dma_wait3A_148] : memref<16906x512xf32, #tpu.memory_space<hbm>> -> memref<40x512xf32, #tpu.memory_space<hbm>>
      %dma_wait3A_150 = arith.constant 0 : i32
      %dma_wait3A_151 = arith.constant 0 : i32
      %dma_wait3A_152 = tpu.memref_slice %arg5[%dma_wait3A_141, %dma_wait3A_150, %dma_wait3A_151] : memref<3x40x512xf32, #tpu.memory_space<vmem>> -> memref<1x40x512xf32, #tpu.memory_space<vmem>>
      %dma_wait3A_153 = tpu.memref_squeeze %dma_wait3A_152 : memref<1x40x512xf32, #tpu.memory_space<vmem>> -> memref<40x512xf32, #tpu.memory_space<vmem>>
      tpu.wait_dma2 semaphore(%arg10 : memref<!tpu.dma_semaphore, #tpu.memory_space<semaphore_mem>>) src(%dma_wait3A_153 : memref<40x512xf32, #tpu.memory_space<vmem>>) dst(%dma_wait3A_149 : memref<40x512xf32, #tpu.memory_space<hbm>>)
      %dma_start3A_154 = arith.constant 1 : i32
      %dma_start3A_155 = arith.constant 0 : i32
      %dma_start3A_156 = arith.constant 0 : i32
      %dma_start3A_157 = tpu.memref_slice %arg5[%dma_start3A_154, %dma_start3A_155, %dma_start3A_156] : memref<3x40x512xf32, #tpu.memory_space<vmem>> -> memref<1x40x512xf32, #tpu.memory_space<vmem>>
      %dma_start3A_158 = tpu.memref_squeeze %dma_start3A_157 : memref<1x40x512xf32, #tpu.memory_space<vmem>> -> memref<40x512xf32, #tpu.memory_space<vmem>>
      %dma_start3A_159 = arith.constant 0 : i32
      %dma_start3A_160 = tpu.memref_slice %arg2[%add3A_19, %dma_start3A_159] : memref<16907x512xf32, #tpu.memory_space<hbm>> -> memref<40x512xf32, #tpu.memory_space<hbm>>
      %dma_start3A_161 = arith.constant 0 : i32
      %dma_start3A_162 = arith.constant 0 : i32
      %dma_start3A_163 = tpu.memref_slice %arg5[%dma_start3A_154, %dma_start3A_161, %dma_start3A_162] : memref<3x40x512xf32, #tpu.memory_space<vmem>> -> memref<1x40x512xf32, #tpu.memory_space<vmem>>
      %dma_start3A_164 = tpu.memref_squeeze %dma_start3A_163 : memref<1x40x512xf32, #tpu.memory_space<vmem>> -> memref<40x512xf32, #tpu.memory_space<vmem>>
      %dma_start3A_165 = arith.constant 0 : i32
      %dma_start3A_166 = tpu.memref_slice %arg2[%add3A_19, %dma_start3A_165] : memref<16907x512xf32, #tpu.memory_space<hbm>> -> memref<40x512xf32, #tpu.memory_space<hbm>>
      tpu.enqueue_dma source(%dma_start3A_166 : memref<40x512xf32, #tpu.memory_space<hbm>>) target(%dma_start3A_164 : memref<40x512xf32, #tpu.memory_space<vmem>>) target_semaphore(%arg7 : memref<!tpu.dma_semaphore, #tpu.memory_space<semaphore_mem>>)
      %dma_wait3A_167 = arith.constant 2 : i32
      %dma_wait3A_168 = arith.constant 0 : i32
      %dma_wait3A_169 = arith.constant 0 : i32
      %dma_wait3A_170 = tpu.memref_slice %arg5[%dma_wait3A_167, %dma_wait3A_168, %dma_wait3A_169] : memref<3x40x512xf32, #tpu.memory_space<vmem>> -> memref<1x40x512xf32, #tpu.memory_space<vmem>>
      %dma_wait3A_171 = tpu.memref_squeeze %dma_wait3A_170 : memref<1x40x512xf32, #tpu.memory_space<vmem>> -> memref<40x512xf32, #tpu.memory_space<vmem>>
      %dma_wait3A_172 = arith.constant 0 : i32
      %dma_wait3A_173 = tpu.memref_slice %arg2[%add3A_15, %dma_wait3A_172] : memref<16907x512xf32, #tpu.memory_space<hbm>> -> memref<40x512xf32, #tpu.memory_space<hbm>>
      %dma_wait3A_174 = arith.constant 0 : i32
      %dma_wait3A_175 = arith.constant 0 : i32
      %dma_wait3A_176 = tpu.memref_slice %arg5[%dma_wait3A_167, %dma_wait3A_174, %dma_wait3A_175] : memref<3x40x512xf32, #tpu.memory_space<vmem>> -> memref<1x40x512xf32, #tpu.memory_space<vmem>>
      %dma_wait3A_177 = tpu.memref_squeeze %dma_wait3A_176 : memref<1x40x512xf32, #tpu.memory_space<vmem>> -> memref<40x512xf32, #tpu.memory_space<vmem>>
      %dma_wait3A_178 = arith.constant 0 : i32
      %dma_wait3A_179 = tpu.memref_slice %arg2[%add3A_15, %dma_wait3A_178] : memref<16907x512xf32, #tpu.memory_space<hbm>> -> memref<40x512xf32, #tpu.memory_space<hbm>>
      tpu.wait_dma2 semaphore(%arg8 : memref<!tpu.dma_semaphore, #tpu.memory_space<semaphore_mem>>) src(%dma_wait3A_179 : memref<40x512xf32, #tpu.memory_space<hbm>>) dst(%dma_wait3A_177 : memref<40x512xf32, #tpu.memory_space<vmem>>)
      %dma_start3A_180 = arith.constant 2 : i32
      %dma_start3A_181 = arith.constant 0 : i32
      %dma_start3A_182 = arith.constant 0 : i32
      %dma_start3A_183 = tpu.memref_slice %arg5[%dma_start3A_180, %dma_start3A_181, %dma_start3A_182] : memref<3x40x512xf32, #tpu.memory_space<vmem>> -> memref<1x40x512xf32, #tpu.memory_space<vmem>>
      %dma_start3A_184 = tpu.memref_squeeze %dma_start3A_183 : memref<1x40x512xf32, #tpu.memory_space<vmem>> -> memref<40x512xf32, #tpu.memory_space<vmem>>
      %dma_start3A_185 = arith.constant 0 : i32
      %dma_start3A_186 = tpu.memref_slice %arg3[%add3A_15, %dma_start3A_185] : memref<16906x512xf32, #tpu.memory_space<hbm>> -> memref<40x512xf32, #tpu.memory_space<hbm>>
      %dma_start3A_187 = arith.constant 0 : i32
      %dma_start3A_188 = tpu.memref_slice %arg3[%add3A_15, %dma_start3A_187] : memref<16906x512xf32, #tpu.memory_space<hbm>> -> memref<40x512xf32, #tpu.memory_space<hbm>>
      %dma_start3A_189 = arith.constant 0 : i32
      %dma_start3A_190 = arith.constant 0 : i32
      %dma_start3A_191 = tpu.memref_slice %arg5[%dma_start3A_180, %dma_start3A_189, %dma_start3A_190] : memref<3x40x512xf32, #tpu.memory_space<vmem>> -> memref<1x40x512xf32, #tpu.memory_space<vmem>>
      %dma_start3A_192 = tpu.memref_squeeze %dma_start3A_191 : memref<1x40x512xf32, #tpu.memory_space<vmem>> -> memref<40x512xf32, #tpu.memory_space<vmem>>
      tpu.enqueue_dma source(%dma_start3A_192 : memref<40x512xf32, #tpu.memory_space<vmem>>) target(%dma_start3A_188 : memref<40x512xf32, #tpu.memory_space<hbm>>) target_semaphore(%arg11 : memref<!tpu.dma_semaphore, #tpu.memory_space<semaphore_mem>>)
      %dma_wait3A_193 = arith.constant 2 : i32
      %dma_wait3A_194 = arith.constant 0 : i32
      %dma_wait3A_195 = arith.constant 0 : i32
      %dma_wait3A_196 = tpu.memref_slice %arg5[%dma_wait3A_193, %dma_wait3A_194, %dma_wait3A_195] : memref<3x40x512xf32, #tpu.memory_space<vmem>> -> memref<1x40x512xf32, #tpu.memory_space<vmem>>
      %dma_wait3A_197 = tpu.memref_squeeze %dma_wait3A_196 : memref<1x40x512xf32, #tpu.memory_space<vmem>> -> memref<40x512xf32, #tpu.memory_space<vmem>>
      %dma_wait3A_198 = arith.constant 0 : i32
      %dma_wait3A_199 = tpu.memref_slice %arg3[%add3A_15, %dma_wait3A_198] : memref<16906x512xf32, #tpu.memory_space<hbm>> -> memref<40x512xf32, #tpu.memory_space<hbm>>
      %dma_wait3A_200 = arith.constant 0 : i32
      %dma_wait3A_201 = tpu.memref_slice %arg3[%add3A_15, %dma_wait3A_200] : memref<16906x512xf32, #tpu.memory_space<hbm>> -> memref<40x512xf32, #tpu.memory_space<hbm>>
      %dma_wait3A_202 = arith.constant 0 : i32
      %dma_wait3A_203 = arith.constant 0 : i32
      %dma_wait3A_204 = tpu.memref_slice %arg5[%dma_wait3A_193, %dma_wait3A_202, %dma_wait3A_203] : memref<3x40x512xf32, #tpu.memory_space<vmem>> -> memref<1x40x512xf32, #tpu.memory_space<vmem>>
      %dma_wait3A_205 = tpu.memref_squeeze %dma_wait3A_204 : memref<1x40x512xf32, #tpu.memory_space<vmem>> -> memref<40x512xf32, #tpu.memory_space<vmem>>
      tpu.wait_dma2 semaphore(%arg11 : memref<!tpu.dma_semaphore, #tpu.memory_space<semaphore_mem>>) src(%dma_wait3A_205 : memref<40x512xf32, #tpu.memory_space<vmem>>) dst(%dma_wait3A_201 : memref<40x512xf32, #tpu.memory_space<hbm>>)
      %dma_start3A_206 = arith.constant 2 : i32
      %dma_start3A_207 = arith.constant 0 : i32
      %dma_start3A_208 = arith.constant 0 : i32
      %dma_start3A_209 = tpu.memref_slice %arg5[%dma_start3A_206, %dma_start3A_207, %dma_start3A_208] : memref<3x40x512xf32, #tpu.memory_space<vmem>> -> memref<1x40x512xf32, #tpu.memory_space<vmem>>
      %dma_start3A_210 = tpu.memref_squeeze %dma_start3A_209 : memref<1x40x512xf32, #tpu.memory_space<vmem>> -> memref<40x512xf32, #tpu.memory_space<vmem>>
      %dma_start3A_211 = arith.constant 0 : i32
      %dma_start3A_212 = tpu.memref_slice %arg2[%add3A_21, %dma_start3A_211] : memref<16907x512xf32, #tpu.memory_space<hbm>> -> memref<40x512xf32, #tpu.memory_space<hbm>>
      %dma_start3A_213 = arith.constant 0 : i32
      %dma_start3A_214 = arith.constant 0 : i32
      %dma_start3A_215 = tpu.memref_slice %arg5[%dma_start3A_206, %dma_start3A_213, %dma_start3A_214] : memref<3x40x512xf32, #tpu.memory_space<vmem>> -> memref<1x40x512xf32, #tpu.memory_space<vmem>>
      %dma_start3A_216 = tpu.memref_squeeze %dma_start3A_215 : memref<1x40x512xf32, #tpu.memory_space<vmem>> -> memref<40x512xf32, #tpu.memory_space<vmem>>
      %dma_start3A_217 = arith.constant 0 : i32
      %dma_start3A_218 = tpu.memref_slice %arg2[%add3A_21, %dma_start3A_217] : memref<16907x512xf32, #tpu.memory_space<hbm>> -> memref<40x512xf32, #tpu.memory_space<hbm>>
      tpu.enqueue_dma source(%dma_start3A_218 : memref<40x512xf32, #tpu.memory_space<hbm>>) target(%dma_start3A_216 : memref<40x512xf32, #tpu.memory_space<vmem>>) target_semaphore(%arg8 : memref<!tpu.dma_semaphore, #tpu.memory_space<semaphore_mem>>)
      %dma_wait3A_219 = arith.constant 0 : i32
      %dma_wait3A_220 = arith.constant 0 : i32
      %dma_wait3A_221 = arith.constant 0 : i32
      %dma_wait3A_222 = tpu.memref_slice %arg5[%dma_wait3A_219, %dma_wait3A_220, %dma_wait3A_221] : memref<3x40x512xf32, #tpu.memory_space<vmem>> -> memref<1x40x512xf32, #tpu.memory_space<vmem>>
      %dma_wait3A_223 = tpu.memref_squeeze %dma_wait3A_222 : memref<1x40x512xf32, #tpu.memory_space<vmem>> -> memref<40x512xf32, #tpu.memory_space<vmem>>
      %dma_wait3A_224 = arith.constant 0 : i32
      %dma_wait3A_225 = tpu.memref_slice %arg2[%add3A_17, %dma_wait3A_224] : memref<16907x512xf32, #tpu.memory_space<hbm>> -> memref<40x512xf32, #tpu.memory_space<hbm>>
      %dma_wait3A_226 = arith.constant 0 : i32
      %dma_wait3A_227 = arith.constant 0 : i32
      %dma_wait3A_228 = tpu.memref_slice %arg5[%dma_wait3A_219, %dma_wait3A_226, %dma_wait3A_227] : memref<3x40x512xf32, #tpu.memory_space<vmem>> -> memref<1x40x512xf32, #tpu.memory_space<vmem>>
      %dma_wait3A_229 = tpu.memref_squeeze %dma_wait3A_228 : memref<1x40x512xf32, #tpu.memory_space<vmem>> -> memref<40x512xf32, #tpu.memory_space<vmem>>
      %dma_wait3A_230 = arith.constant 0 : i32
      %dma_wait3A_231 = tpu.memref_slice %arg2[%add3A_17, %dma_wait3A_230] : memref<16907x512xf32, #tpu.memory_space<hbm>> -> memref<40x512xf32, #tpu.memory_space<hbm>>
      tpu.wait_dma2 semaphore(%arg6 : memref<!tpu.dma_semaphore, #tpu.memory_space<semaphore_mem>>) src(%dma_wait3A_231 : memref<40x512xf32, #tpu.memory_space<hbm>>) dst(%dma_wait3A_229 : memref<40x512xf32, #tpu.memory_space<vmem>>)
      %dma_start3A_232 = arith.constant 0 : i32
      %dma_start3A_233 = arith.constant 0 : i32
      %dma_start3A_234 = arith.constant 0 : i32
      %dma_start3A_235 = tpu.memref_slice %arg5[%dma_start3A_232, %dma_start3A_233, %dma_start3A_234] : memref<3x40x512xf32, #tpu.memory_space<vmem>> -> memref<1x40x512xf32, #tpu.memory_space<vmem>>
      %dma_start3A_236 = tpu.memref_squeeze %dma_start3A_235 : memref<1x40x512xf32, #tpu.memory_space<vmem>> -> memref<40x512xf32, #tpu.memory_space<vmem>>
      %dma_start3A_237 = arith.constant 0 : i32
      %dma_start3A_238 = tpu.memref_slice %arg3[%add3A_17, %dma_start3A_237] : memref<16906x512xf32, #tpu.memory_space<hbm>> -> memref<40x512xf32, #tpu.memory_space<hbm>>
      %dma_start3A_239 = arith.constant 0 : i32
      %dma_start3A_240 = tpu.memref_slice %arg3[%add3A_17, %dma_start3A_239] : memref<16906x512xf32, #tpu.memory_space<hbm>> -> memref<40x512xf32, #tpu.memory_space<hbm>>
      %dma_start3A_241 = arith.constant 0 : i32
      %dma_start3A_242 = arith.constant 0 : i32
      %dma_start3A_243 = tpu.memref_slice %arg5[%dma_start3A_232, %dma_start3A_241, %dma_start3A_242] : memref<3x40x512xf32, #tpu.memory_space<vmem>> -> memref<1x40x512xf32, #tpu.memory_space<vmem>>
      %dma_start3A_244 = tpu.memref_squeeze %dma_start3A_243 : memref<1x40x512xf32, #tpu.memory_space<vmem>> -> memref<40x512xf32, #tpu.memory_space<vmem>>
      tpu.enqueue_dma source(%dma_start3A_244 : memref<40x512xf32, #tpu.memory_space<vmem>>) target(%dma_start3A_240 : memref<40x512xf32, #tpu.memory_space<hbm>>) target_semaphore(%arg9 : memref<!tpu.dma_semaphore, #tpu.memory_space<semaphore_mem>>)
      %dma_wait3A_245 = arith.constant 0 : i32
      %dma_wait3A_246 = arith.constant 0 : i32
      %dma_wait3A_247 = arith.constant 0 : i32
      %dma_wait3A_248 = tpu.memref_slice %arg5[%dma_wait3A_245, %dma_wait3A_246, %dma_wait3A_247] : memref<3x40x512xf32, #tpu.memory_space<vmem>> -> memref<1x40x512xf32, #tpu.memory_space<vmem>>
      %dma_wait3A_249 = tpu.memref_squeeze %dma_wait3A_248 : memref<1x40x512xf32, #tpu.memory_space<vmem>> -> memref<40x512xf32, #tpu.memory_space<vmem>>
      %dma_wait3A_250 = arith.constant 0 : i32
      %dma_wait3A_251 = tpu.memref_slice %arg3[%add3A_17, %dma_wait3A_250] : memref<16906x512xf32, #tpu.memory_space<hbm>> -> memref<40x512xf32, #tpu.memory_space<hbm>>
      %dma_wait3A_252 = arith.constant 0 : i32
      %dma_wait3A_253 = tpu.memref_slice %arg3[%add3A_17, %dma_wait3A_252] : memref<16906x512xf32, #tpu.memory_space<hbm>> -> memref<40x512xf32, #tpu.memory_space<hbm>>
      %dma_wait3A_254 = arith.constant 0 : i32
      %dma_wait3A_255 = arith.constant 0 : i32
      %dma_wait3A_256 = tpu.memref_slice %arg5[%dma_wait3A_245, %dma_wait3A_254, %dma_wait3A_255] : memref<3x40x512xf32, #tpu.memory_space<vmem>> -> memref<1x40x512xf32, #tpu.memory_space<vmem>>
      %dma_wait3A_257 = tpu.memref_squeeze %dma_wait3A_256 : memref<1x40x512xf32, #tpu.memory_space<vmem>> -> memref<40x512xf32, #tpu.memory_space<vmem>>
      tpu.wait_dma2 semaphore(%arg9 : memref<!tpu.dma_semaphore, #tpu.memory_space<semaphore_mem>>) src(%dma_wait3A_257 : memref<40x512xf32, #tpu.memory_space<vmem>>) dst(%dma_wait3A_253 : memref<40x512xf32, #tpu.memory_space<hbm>>)
      %dma_start3A_258 = arith.constant 0 : i32
      %dma_start3A_259 = arith.constant 0 : i32
      %dma_start3A_260 = arith.constant 0 : i32
      %dma_start3A_261 = tpu.memref_slice %arg5[%dma_start3A_258, %dma_start3A_259, %dma_start3A_260] : memref<3x40x512xf32, #tpu.memory_space<vmem>> -> memref<1x40x512xf32, #tpu.memory_space<vmem>>
      %dma_start3A_262 = tpu.memref_squeeze %dma_start3A_261 : memref<1x40x512xf32, #tpu.memory_space<vmem>> -> memref<40x512xf32, #tpu.memory_space<vmem>>
      %dma_start3A_263 = arith.constant 0 : i32
      %dma_start3A_264 = tpu.memref_slice %arg2[%add3A_23, %dma_start3A_263] : memref<16907x512xf32, #tpu.memory_space<hbm>> -> memref<40x512xf32, #tpu.memory_space<hbm>>
      %dma_start3A_265 = arith.constant 0 : i32
      %dma_start3A_266 = arith.constant 0 : i32
      %dma_start3A_267 = tpu.memref_slice %arg5[%dma_start3A_258, %dma_start3A_265, %dma_start3A_266] : memref<3x40x512xf32, #tpu.memory_space<vmem>> -> memref<1x40x512xf32, #tpu.memory_space<vmem>>
      %dma_start3A_268 = tpu.memref_squeeze %dma_start3A_267 : memref<1x40x512xf32, #tpu.memory_space<vmem>> -> memref<40x512xf32, #tpu.memory_space<vmem>>
      %dma_start3A_269 = arith.constant 0 : i32
      %dma_start3A_270 = tpu.memref_slice %arg2[%add3A_23, %dma_start3A_269] : memref<16907x512xf32, #tpu.memory_space<hbm>> -> memref<40x512xf32, #tpu.memory_space<hbm>>
      tpu.enqueue_dma source(%dma_start3A_270 : memref<40x512xf32, #tpu.memory_space<hbm>>) target(%dma_start3A_268 : memref<40x512xf32, #tpu.memory_space<vmem>>) target_semaphore(%arg6 : memref<!tpu.dma_semaphore, #tpu.memory_space<semaphore_mem>>)
      %dma_wait3A_271 = arith.constant 1 : i32
      %dma_wait3A_272 = arith.constant 0 : i32
      %dma_wait3A_273 = arith.constant 0 : i32
      %dma_wait3A_274 = tpu.memref_slice %arg5[%dma_wait3A_271, %dma_wait3A_272, %dma_wait3A_273] : memref<3x40x512xf32, #tpu.memory_space<vmem>> -> memref<1x40x512xf32, #tpu.memory_space<vmem>>
      %dma_wait3A_275 = tpu.memref_squeeze %dma_wait3A_274 : memref<1x40x512xf32, #tpu.memory_space<vmem>> -> memref<40x512xf32, #tpu.memory_space<vmem>>
      %dma_wait3A_276 = arith.constant 0 : i32
      %dma_wait3A_277 = tpu.memref_slice %arg2[%add3A_19, %dma_wait3A_276] : memref<16907x512xf32, #tpu.memory_space<hbm>> -> memref<40x512xf32, #tpu.memory_space<hbm>>
      %dma_wait3A_278 = arith.constant 0 : i32
      %dma_wait3A_279 = arith.constant 0 : i32
      %dma_wait3A_280 = tpu.memref_slice %arg5[%dma_wait3A_271, %dma_wait3A_278, %dma_wait3A_279] : memref<3x40x512xf32, #tpu.memory_space<vmem>> -> memref<1x40x512xf32, #tpu.memory_space<vmem>>
      %dma_wait3A_281 = tpu.memref_squeeze %dma_wait3A_280 : memref<1x40x512xf32, #tpu.memory_space<vmem>> -> memref<40x512xf32, #tpu.memory_space<vmem>>
      %dma_wait3A_282 = arith.constant 0 : i32
      %dma_wait3A_283 = tpu.memref_slice %arg2[%add3A_19, %dma_wait3A_282] : memref<16907x512xf32, #tpu.memory_space<hbm>> -> memref<40x512xf32, #tpu.memory_space<hbm>>
      tpu.wait_dma2 semaphore(%arg7 : memref<!tpu.dma_semaphore, #tpu.memory_space<semaphore_mem>>) src(%dma_wait3A_283 : memref<40x512xf32, #tpu.memory_space<hbm>>) dst(%dma_wait3A_281 : memref<40x512xf32, #tpu.memory_space<vmem>>)
      %dma_start3A_284 = arith.constant 1 : i32
      %dma_start3A_285 = arith.constant 0 : i32
      %dma_start3A_286 = arith.constant 0 : i32
      %dma_start3A_287 = tpu.memref_slice %arg5[%dma_start3A_284, %dma_start3A_285, %dma_start3A_286] : memref<3x40x512xf32, #tpu.memory_space<vmem>> -> memref<1x40x512xf32, #tpu.memory_space<vmem>>
      %dma_start3A_288 = tpu.memref_squeeze %dma_start3A_287 : memref<1x40x512xf32, #tpu.memory_space<vmem>> -> memref<40x512xf32, #tpu.memory_space<vmem>>
      %dma_start3A_289 = arith.constant 0 : i32
      %dma_start3A_290 = tpu.memref_slice %arg3[%add3A_19, %dma_start3A_289] : memref<16906x512xf32, #tpu.memory_space<hbm>> -> memref<40x512xf32, #tpu.memory_space<hbm>>
      %dma_start3A_291 = arith.constant 0 : i32
      %dma_start3A_292 = tpu.memref_slice %arg3[%add3A_19, %dma_start3A_291] : memref<16906x512xf32, #tpu.memory_space<hbm>> -> memref<40x512xf32, #tpu.memory_space<hbm>>
      %dma_start3A_293 = arith.constant 0 : i32
      %dma_start3A_294 = arith.constant 0 : i32
      %dma_start3A_295 = tpu.memref_slice %arg5[%dma_start3A_284, %dma_start3A_293, %dma_start3A_294] : memref<3x40x512xf32, #tpu.memory_space<vmem>> -> memref<1x40x512xf32, #tpu.memory_space<vmem>>
      %dma_start3A_296 = tpu.memref_squeeze %dma_start3A_295 : memref<1x40x512xf32, #tpu.memory_space<vmem>> -> memref<40x512xf32, #tpu.memory_space<vmem>>
      tpu.enqueue_dma source(%dma_start3A_296 : memref<40x512xf32, #tpu.memory_space<vmem>>) target(%dma_start3A_292 : memref<40x512xf32, #tpu.memory_space<hbm>>) target_semaphore(%arg10 : memref<!tpu.dma_semaphore, #tpu.memory_space<semaphore_mem>>)
      %dma_wait3A_297 = arith.constant 2 : i32
      %dma_wait3A_298 = arith.constant 0 : i32
      %dma_wait3A_299 = arith.constant 0 : i32
      %dma_wait3A_300 = tpu.memref_slice %arg5[%dma_wait3A_297, %dma_wait3A_298, %dma_wait3A_299] : memref<3x40x512xf32, #tpu.memory_space<vmem>> -> memref<1x40x512xf32, #tpu.memory_space<vmem>>
      %dma_wait3A_301 = tpu.memref_squeeze %dma_wait3A_300 : memref<1x40x512xf32, #tpu.memory_space<vmem>> -> memref<40x512xf32, #tpu.memory_space<vmem>>
      %dma_wait3A_302 = arith.constant 0 : i32
      %dma_wait3A_303 = tpu.memref_slice %arg2[%add3A_21, %dma_wait3A_302] : memref<16907x512xf32, #tpu.memory_space<hbm>> -> memref<40x512xf32, #tpu.memory_space<hbm>>
      %dma_wait3A_304 = arith.constant 0 : i32
      %dma_wait3A_305 = arith.constant 0 : i32
      %dma_wait3A_306 = tpu.memref_slice %arg5[%dma_wait3A_297, %dma_wait3A_304, %dma_wait3A_305] : memref<3x40x512xf32, #tpu.memory_space<vmem>> -> memref<1x40x512xf32, #tpu.memory_space<vmem>>
      %dma_wait3A_307 = tpu.memref_squeeze %dma_wait3A_306 : memref<1x40x512xf32, #tpu.memory_space<vmem>> -> memref<40x512xf32, #tpu.memory_space<vmem>>
      %dma_wait3A_308 = arith.constant 0 : i32
      %dma_wait3A_309 = tpu.memref_slice %arg2[%add3A_21, %dma_wait3A_308] : memref<16907x512xf32, #tpu.memory_space<hbm>> -> memref<40x512xf32, #tpu.memory_space<hbm>>
      tpu.wait_dma2 semaphore(%arg8 : memref<!tpu.dma_semaphore, #tpu.memory_space<semaphore_mem>>) src(%dma_wait3A_309 : memref<40x512xf32, #tpu.memory_space<hbm>>) dst(%dma_wait3A_307 : memref<40x512xf32, #tpu.memory_space<vmem>>)
      %dma_start3A_310 = arith.constant 2 : i32
      %dma_start3A_311 = arith.constant 0 : i32
      %dma_start3A_312 = arith.constant 0 : i32
      %dma_start3A_313 = tpu.memref_slice %arg5[%dma_start3A_310, %dma_start3A_311, %dma_start3A_312] : memref<3x40x512xf32, #tpu.memory_space<vmem>> -> memref<1x40x512xf32, #tpu.memory_space<vmem>>
      %dma_start3A_314 = tpu.memref_squeeze %dma_start3A_313 : memref<1x40x512xf32, #tpu.memory_space<vmem>> -> memref<40x512xf32, #tpu.memory_space<vmem>>
      %dma_start3A_315 = arith.constant 0 : i32
      %dma_start3A_316 = tpu.memref_slice %arg3[%add3A_21, %dma_start3A_315] : memref<16906x512xf32, #tpu.memory_space<hbm>> -> memref<40x512xf32, #tpu.memory_space<hbm>>
      %dma_start3A_317 = arith.constant 0 : i32
      %dma_start3A_318 = tpu.memref_slice %arg3[%add3A_21, %dma_start3A_317] : memref<16906x512xf32, #tpu.memory_space<hbm>> -> memref<40x512xf32, #tpu.memory_space<hbm>>
      %dma_start3A_319 = arith.constant 0 : i32
      %dma_start3A_320 = arith.constant 0 : i32
      %dma_start3A_321 = tpu.memref_slice %arg5[%dma_start3A_310, %dma_start3A_319, %dma_start3A_320] : memref<3x40x512xf32, #tpu.memory_space<vmem>> -> memref<1x40x512xf32, #tpu.memory_space<vmem>>
      %dma_start3A_322 = tpu.memref_squeeze %dma_start3A_321 : memref<1x40x512xf32, #tpu.memory_space<vmem>> -> memref<40x512xf32, #tpu.memory_space<vmem>>
      tpu.enqueue_dma source(%dma_start3A_322 : memref<40x512xf32, #tpu.memory_space<vmem>>) target(%dma_start3A_318 : memref<40x512xf32, #tpu.memory_space<hbm>>) target_semaphore(%arg11 : memref<!tpu.dma_semaphore, #tpu.memory_space<semaphore_mem>>)
      %dma_wait3A_323 = arith.constant 0 : i32
      %dma_wait3A_324 = arith.constant 0 : i32
      %dma_wait3A_325 = arith.constant 0 : i32
      %dma_wait3A_326 = tpu.memref_slice %arg5[%dma_wait3A_323, %dma_wait3A_324, %dma_wait3A_325] : memref<3x40x512xf32, #tpu.memory_space<vmem>> -> memref<1x40x512xf32, #tpu.memory_space<vmem>>
      %dma_wait3A_327 = tpu.memref_squeeze %dma_wait3A_326 : memref<1x40x512xf32, #tpu.memory_space<vmem>> -> memref<40x512xf32, #tpu.memory_space<vmem>>
      %dma_wait3A_328 = arith.constant 0 : i32
      %dma_wait3A_329 = tpu.memref_slice %arg2[%add3A_23, %dma_wait3A_328] : memref<16907x512xf32, #tpu.memory_space<hbm>> -> memref<40x512xf32, #tpu.memory_space<hbm>>
      %dma_wait3A_330 = arith.constant 0 : i32
      %dma_wait3A_331 = arith.constant 0 : i32
      %dma_wait3A_332 = tpu.memref_slice %arg5[%dma_wait3A_323, %dma_wait3A_330, %dma_wait3A_331] : memref<3x40x512xf32, #tpu.memory_space<vmem>> -> memref<1x40x512xf32, #tpu.memory_space<vmem>>
      %dma_wait3A_333 = tpu.memref_squeeze %dma_wait3A_332 : memref<1x40x512xf32, #tpu.memory_space<vmem>> -> memref<40x512xf32, #tpu.memory_space<vmem>>
      %dma_wait3A_334 = arith.constant 0 : i32
      %dma_wait3A_335 = tpu.memref_slice %arg2[%add3A_23, %dma_wait3A_334] : memref<16907x512xf32, #tpu.memory_space<hbm>> -> memref<40x512xf32, #tpu.memory_space<hbm>>
      tpu.wait_dma2 semaphore(%arg6 : memref<!tpu.dma_semaphore, #tpu.memory_space<semaphore_mem>>) src(%dma_wait3A_335 : memref<40x512xf32, #tpu.memory_space<hbm>>) dst(%dma_wait3A_333 : memref<40x512xf32, #tpu.memory_space<vmem>>)
      %dma_start3A_336 = arith.constant 0 : i32
      %dma_start3A_337 = arith.constant 0 : i32
      %dma_start3A_338 = arith.constant 0 : i32
      %dma_start3A_339 = tpu.memref_slice %arg5[%dma_start3A_336, %dma_start3A_337, %dma_start3A_338] : memref<3x40x512xf32, #tpu.memory_space<vmem>> -> memref<1x40x512xf32, #tpu.memory_space<vmem>>
      %dma_start3A_340 = tpu.memref_squeeze %dma_start3A_339 : memref<1x40x512xf32, #tpu.memory_space<vmem>> -> memref<40x512xf32, #tpu.memory_space<vmem>>
      %dma_start3A_341 = arith.constant 0 : i32
      %dma_start3A_342 = tpu.memref_slice %arg3[%add3A_23, %dma_start3A_341] : memref<16906x512xf32, #tpu.memory_space<hbm>> -> memref<40x512xf32, #tpu.memory_space<hbm>>
      %dma_start3A_343 = arith.constant 0 : i32
      %dma_start3A_344 = tpu.memref_slice %arg3[%add3A_23, %dma_start3A_343] : memref<16906x512xf32, #tpu.memory_space<hbm>> -> memref<40x512xf32, #tpu.memory_space<hbm>>
      %dma_start3A_345 = arith.constant 0 : i32
      %dma_start3A_346 = arith.constant 0 : i32
      %dma_start3A_347 = tpu.memref_slice %arg5[%dma_start3A_336, %dma_start3A_345, %dma_start3A_346] : memref<3x40x512xf32, #tpu.memory_space<vmem>> -> memref<1x40x512xf32, #tpu.memory_space<vmem>>
      %dma_start3A_348 = tpu.memref_squeeze %dma_start3A_347 : memref<1x40x512xf32, #tpu.memory_space<vmem>> -> memref<40x512xf32, #tpu.memory_space<vmem>>
      tpu.enqueue_dma source(%dma_start3A_348 : memref<40x512xf32, #tpu.memory_space<vmem>>) target(%dma_start3A_344 : memref<40x512xf32, #tpu.memory_space<hbm>>) target_semaphore(%arg9 : memref<!tpu.dma_semaphore, #tpu.memory_space<semaphore_mem>>)
      %dma_wait3A_349 = arith.constant 1 : i32
      %dma_wait3A_350 = arith.constant 0 : i32
      %dma_wait3A_351 = arith.constant 0 : i32
      %dma_wait3A_352 = tpu.memref_slice %arg5[%dma_wait3A_349, %dma_wait3A_350, %dma_wait3A_351] : memref<3x40x512xf32, #tpu.memory_space<vmem>> -> memref<1x40x512xf32, #tpu.memory_space<vmem>>
      %dma_wait3A_353 = tpu.memref_squeeze %dma_wait3A_352 : memref<1x40x512xf32, #tpu.memory_space<vmem>> -> memref<40x512xf32, #tpu.memory_space<vmem>>
      %dma_wait3A_354 = arith.constant 0 : i32
      %dma_wait3A_355 = tpu.memref_slice %arg3[%add3A_19, %dma_wait3A_354] : memref<16906x512xf32, #tpu.memory_space<hbm>> -> memref<40x512xf32, #tpu.memory_space<hbm>>
      %dma_wait3A_356 = arith.constant 0 : i32
      %dma_wait3A_357 = tpu.memref_slice %arg3[%add3A_19, %dma_wait3A_356] : memref<16906x512xf32, #tpu.memory_space<hbm>> -> memref<40x512xf32, #tpu.memory_space<hbm>>
      %dma_wait3A_358 = arith.constant 0 : i32
      %dma_wait3A_359 = arith.constant 0 : i32
      %dma_wait3A_360 = tpu.memref_slice %arg5[%dma_wait3A_349, %dma_wait3A_358, %dma_wait3A_359] : memref<3x40x512xf32, #tpu.memory_space<vmem>> -> memref<1x40x512xf32, #tpu.memory_space<vmem>>
      %dma_wait3A_361 = tpu.memref_squeeze %dma_wait3A_360 : memref<1x40x512xf32, #tpu.memory_space<vmem>> -> memref<40x512xf32, #tpu.memory_space<vmem>>
      tpu.wait_dma2 semaphore(%arg10 : memref<!tpu.dma_semaphore, #tpu.memory_space<semaphore_mem>>) src(%dma_wait3A_361 : memref<40x512xf32, #tpu.memory_space<vmem>>) dst(%dma_wait3A_357 : memref<40x512xf32, #tpu.memory_space<hbm>>)
      %dma_wait3A_362 = arith.constant 2 : i32
      %dma_wait3A_363 = arith.constant 0 : i32
      %dma_wait3A_364 = arith.constant 0 : i32
      %dma_wait3A_365 = tpu.memref_slice %arg5[%dma_wait3A_362, %dma_wait3A_363, %dma_wait3A_364] : memref<3x40x512xf32, #tpu.memory_space<vmem>> -> memref<1x40x512xf32, #tpu.memory_space<vmem>>
      %dma_wait3A_366 = tpu.memref_squeeze %dma_wait3A_365 : memref<1x40x512xf32, #tpu.memory_space<vmem>> -> memref<40x512xf32, #tpu.memory_space<vmem>>
      %dma_wait3A_367 = arith.constant 0 : i32
      %dma_wait3A_368 = tpu.memref_slice %arg3[%add3A_21, %dma_wait3A_367] : memref<16906x512xf32, #tpu.memory_space<hbm>> -> memref<40x512xf32, #tpu.memory_space<hbm>>
      %dma_wait3A_369 = arith.constant 0 : i32
      %dma_wait3A_370 = tpu.memref_slice %arg3[%add3A_21, %dma_wait3A_369] : memref<16906x512xf32, #tpu.memory_space<hbm>> -> memref<40x512xf32, #tpu.memory_space<hbm>>
      %dma_wait3A_371 = arith.constant 0 : i32
      %dma_wait3A_372 = arith.constant 0 : i32
      %dma_wait3A_373 = tpu.memref_slice %arg5[%dma_wait3A_362, %dma_wait3A_371, %dma_wait3A_372] : memref<3x40x512xf32, #tpu.memory_space<vmem>> -> memref<1x40x512xf32, #tpu.memory_space<vmem>>
      %dma_wait3A_374 = tpu.memref_squeeze %dma_wait3A_373 : memref<1x40x512xf32, #tpu.memory_space<vmem>> -> memref<40x512xf32, #tpu.memory_space<vmem>>
      tpu.wait_dma2 semaphore(%arg11 : memref<!tpu.dma_semaphore, #tpu.memory_space<semaphore_mem>>) src(%dma_wait3A_374 : memref<40x512xf32, #tpu.memory_space<vmem>>) dst(%dma_wait3A_370 : memref<40x512xf32, #tpu.memory_space<hbm>>)
      %dma_wait3A_375 = arith.constant 0 : i32
      %dma_wait3A_376 = arith.constant 0 : i32
      %dma_wait3A_377 = arith.constant 0 : i32
      %dma_wait3A_378 = tpu.memref_slice %arg5[%dma_wait3A_375, %dma_wait3A_376, %dma_wait3A_377] : memref<3x40x512xf32, #tpu.memory_space<vmem>> -> memref<1x40x512xf32, #tpu.memory_space<vmem>>
      %dma_wait3A_379 = tpu.memref_squeeze %dma_wait3A_378 : memref<1x40x512xf32, #tpu.memory_space<vmem>> -> memref<40x512xf32, #tpu.memory_space<vmem>>
      %dma_wait3A_380 = arith.constant 0 : i32
      %dma_wait3A_381 = tpu.memref_slice %arg3[%add3A_23, %dma_wait3A_380] : memref<16906x512xf32, #tpu.memory_space<hbm>> -> memref<40x512xf32, #tpu.memory_space<hbm>>
      %dma_wait3A_382 = arith.constant 0 : i32
      %dma_wait3A_383 = tpu.memref_slice %arg3[%add3A_23, %dma_wait3A_382] : memref<16906x512xf32, #tpu.memory_space<hbm>> -> memref<40x512xf32, #tpu.memory_space<hbm>>
      %dma_wait3A_384 = arith.constant 0 : i32
      %dma_wait3A_385 = arith.constant 0 : i32
      %dma_wait3A_386 = tpu.memref_slice %arg5[%dma_wait3A_375, %dma_wait3A_384, %dma_wait3A_385] : memref<3x40x512xf32, #tpu.memory_space<vmem>> -> memref<1x40x512xf32, #tpu.memory_space<vmem>>
      %dma_wait3A_387 = tpu.memref_squeeze %dma_wait3A_386 : memref<1x40x512xf32, #tpu.memory_space<vmem>> -> memref<40x512xf32, #tpu.memory_space<vmem>>
      tpu.wait_dma2 semaphore(%arg9 : memref<!tpu.dma_semaphore, #tpu.memory_space<semaphore_mem>>) src(%dma_wait3A_387 : memref<40x512xf32, #tpu.memory_space<vmem>>) dst(%dma_wait3A_383 : memref<40x512xf32, #tpu.memory_space<hbm>>)
      %lt3A = arith.constant 10 : i32
      %lt3A_388 = arith.cmpi slt, %add3A, %lt3A : i32
      %convert_element_type3A_389 = arith.extui %lt3A_388 : i1 to i32
      %cond3A_390 = arith.constant 0 : i32
      %cond3A_391 = arith.cmpi ne, %convert_element_type3A_389, %cond3A_390 : i32
      scf.if %cond3A_391 {
        %add3A_392 = arith.constant 16896 : i32
        %add3A_393 = arith.addi %add3A_392, %add3A : i32
        %run_scoped3A = arith.constant 0 : i32
        "tpu.region"() ({
          %run_scoped3A_395 = tpu.sem_alloc : memref<!tpu.dma_semaphore, #tpu.memory_space<semaphore_mem>>
          %dma_start3A_396 = arith.constant 0 : i32
          %dma_start3A_397 = arith.constant 0 : i32
          %dma_start3A_398 = tpu.memref_slice %arg5[%run_scoped3A, %dma_start3A_396, %dma_start3A_397] : memref<3x40x512xf32, #tpu.memory_space<vmem>> -> memref<1x1x512xf32, #tpu.memory_space<vmem>>
          %dma_start3A_399 = tpu.memref_squeeze %dma_start3A_398 : memref<1x1x512xf32, #tpu.memory_space<vmem>> -> memref<1x512xf32, #tpu.memory_space<vmem>>
          %dma_start3A_400 = arith.constant 0 : i32
          %dma_start3A_401 = tpu.memref_slice %arg2[%add3A_393, %dma_start3A_400] : memref<16907x512xf32, #tpu.memory_space<hbm>> -> memref<1x512xf32, #tpu.memory_space<hbm>>
          %dma_start3A_402 = arith.constant 0 : i32
          %dma_start3A_403 = arith.constant 0 : i32
          %dma_start3A_404 = tpu.memref_slice %arg5[%run_scoped3A, %dma_start3A_402, %dma_start3A_403] : memref<3x40x512xf32, #tpu.memory_space<vmem>> -> memref<1x1x512xf32, #tpu.memory_space<vmem>>
          %dma_start3A_405 = tpu.memref_squeeze %dma_start3A_404 : memref<1x1x512xf32, #tpu.memory_space<vmem>> -> memref<1x512xf32, #tpu.memory_space<vmem>>
          %dma_start3A_406 = arith.constant 0 : i32
          %dma_start3A_407 = tpu.memref_slice %arg2[%add3A_393, %dma_start3A_406] : memref<16907x512xf32, #tpu.memory_space<hbm>> -> memref<1x512xf32, #tpu.memory_space<hbm>>
          tpu.enqueue_dma source(%dma_start3A_407 : memref<1x512xf32, #tpu.memory_space<hbm>>) target(%dma_start3A_405 : memref<1x512xf32, #tpu.memory_space<vmem>>) target_semaphore(%run_scoped3A_395 : memref<!tpu.dma_semaphore, #tpu.memory_space<semaphore_mem>>)
          %dma_wait3A_408 = arith.constant 0 : i32
          %dma_wait3A_409 = arith.constant 0 : i32
          %dma_wait3A_410 = tpu.memref_slice %arg5[%run_scoped3A, %dma_wait3A_408, %dma_wait3A_409] : memref<3x40x512xf32, #tpu.memory_space<vmem>> -> memref<1x1x512xf32, #tpu.memory_space<vmem>>
          %dma_wait3A_411 = tpu.memref_squeeze %dma_wait3A_410 : memref<1x1x512xf32, #tpu.memory_space<vmem>> -> memref<1x512xf32, #tpu.memory_space<vmem>>
          %dma_wait3A_412 = arith.constant 0 : i32
          %dma_wait3A_413 = tpu.memref_slice %arg2[%add3A_393, %dma_wait3A_412] : memref<16907x512xf32, #tpu.memory_space<hbm>> -> memref<1x512xf32, #tpu.memory_space<hbm>>
          %dma_wait3A_414 = arith.constant 0 : i32
          %dma_wait3A_415 = arith.constant 0 : i32
          %dma_wait3A_416 = tpu.memref_slice %arg5[%run_scoped3A, %dma_wait3A_414, %dma_wait3A_415] : memref<3x40x512xf32, #tpu.memory_space<vmem>> -> memref<1x1x512xf32, #tpu.memory_space<vmem>>
          %dma_wait3A_417 = tpu.memref_squeeze %dma_wait3A_416 : memref<1x1x512xf32, #tpu.memory_space<vmem>> -> memref<1x512xf32, #tpu.memory_space<vmem>>
          %dma_wait3A_418 = arith.constant 0 : i32
          %dma_wait3A_419 = tpu.memref_slice %arg2[%add3A_393, %dma_wait3A_418] : memref<16907x512xf32, #tpu.memory_space<hbm>> -> memref<1x512xf32, #tpu.memory_space<hbm>>
          tpu.wait_dma2 semaphore(%run_scoped3A_395 : memref<!tpu.dma_semaphore, #tpu.memory_space<semaphore_mem>>) src(%dma_wait3A_419 : memref<1x512xf32, #tpu.memory_space<hbm>>) dst(%dma_wait3A_417 : memref<1x512xf32, #tpu.memory_space<vmem>>)
          tpu.yield
        }) : () -> ()
        %run_scoped3A_394 = arith.constant 0 : i32
        "tpu.region"() ({
          %run_scoped3A_395 = tpu.sem_alloc : memref<!tpu.dma_semaphore, #tpu.memory_space<semaphore_mem>>
          %dma_start3A_396 = arith.constant 0 : i32
          %dma_start3A_397 = arith.constant 0 : i32
          %dma_start3A_398 = tpu.memref_slice %arg5[%run_scoped3A_394, %dma_start3A_396, %dma_start3A_397] : memref<3x40x512xf32, #tpu.memory_space<vmem>> -> memref<1x1x512xf32, #tpu.memory_space<vmem>>
          %dma_start3A_399 = tpu.memref_squeeze %dma_start3A_398 : memref<1x1x512xf32, #tpu.memory_space<vmem>> -> memref<1x512xf32, #tpu.memory_space<vmem>>
          %dma_start3A_400 = arith.constant 0 : i32
          %dma_start3A_401 = tpu.memref_slice %arg3[%add3A_393, %dma_start3A_400] : memref<16906x512xf32, #tpu.memory_space<hbm>> -> memref<1x512xf32, #tpu.memory_space<hbm>>
          %dma_start3A_402 = arith.constant 0 : i32
          %dma_start3A_403 = tpu.memref_slice %arg3[%add3A_393, %dma_start3A_402] : memref<16906x512xf32, #tpu.memory_space<hbm>> -> memref<1x512xf32, #tpu.memory_space<hbm>>
          %dma_start3A_404 = arith.constant 0 : i32
          %dma_start3A_405 = arith.constant 0 : i32
          %dma_start3A_406 = tpu.memref_slice %arg5[%run_scoped3A_394, %dma_start3A_404, %dma_start3A_405] : memref<3x40x512xf32, #tpu.memory_space<vmem>> -> memref<1x1x512xf32, #tpu.memory_space<vmem>>
          %dma_start3A_407 = tpu.memref_squeeze %dma_start3A_406 : memref<1x1x512xf32, #tpu.memory_space<vmem>> -> memref<1x512xf32, #tpu.memory_space<vmem>>
          tpu.enqueue_dma source(%dma_start3A_407 : memref<1x512xf32, #tpu.memory_space<vmem>>) target(%dma_start3A_403 : memref<1x512xf32, #tpu.memory_space<hbm>>) target_semaphore(%run_scoped3A_395 : memref<!tpu.dma_semaphore, #tpu.memory_space<semaphore_mem>>)
          %dma_wait3A_408 = arith.constant 0 : i32
          %dma_wait3A_409 = arith.constant 0 : i32
          %dma_wait3A_410 = tpu.memref_slice %arg5[%run_scoped3A_394, %dma_wait3A_408, %dma_wait3A_409] : memref<3x40x512xf32, #tpu.memory_space<vmem>> -> memref<1x1x512xf32, #tpu.memory_space<vmem>>
          %dma_wait3A_411 = tpu.memref_squeeze %dma_wait3A_410 : memref<1x1x512xf32, #tpu.memory_space<vmem>> -> memref<1x512xf32, #tpu.memory_space<vmem>>
          %dma_wait3A_412 = arith.constant 0 : i32
          %dma_wait3A_413 = tpu.memref_slice %arg3[%add3A_393, %dma_wait3A_412] : memref<16906x512xf32, #tpu.memory_space<hbm>> -> memref<1x512xf32, #tpu.memory_space<hbm>>
          %dma_wait3A_414 = arith.constant 0 : i32
          %dma_wait3A_415 = tpu.memref_slice %arg3[%add3A_393, %dma_wait3A_414] : memref<16906x512xf32, #tpu.memory_space<hbm>> -> memref<1x512xf32, #tpu.memory_space<hbm>>
          %dma_wait3A_416 = arith.constant 0 : i32
          %dma_wait3A_417 = arith.constant 0 : i32
          %dma_wait3A_418 = tpu.memref_slice %arg5[%run_scoped3A_394, %dma_wait3A_416, %dma_wait3A_417] : memref<3x40x512xf32, #tpu.memory_space<vmem>> -> memref<1x1x512xf32, #tpu.memory_space<vmem>>
          %dma_wait3A_419 = tpu.memref_squeeze %dma_wait3A_418 : memref<1x1x512xf32, #tpu.memory_space<vmem>> -> memref<1x512xf32, #tpu.memory_space<vmem>>
          tpu.wait_dma2 semaphore(%run_scoped3A_395 : memref<!tpu.dma_semaphore, #tpu.memory_space<semaphore_mem>>) src(%dma_wait3A_419 : memref<1x512xf32, #tpu.memory_space<vmem>>) dst(%dma_wait3A_415 : memref<1x512xf32, #tpu.memory_space<hbm>>)
          tpu.yield
        }) : () -> ()
      } else {
      }
    } else {
    }
    return
  }
}

</mosaic_0001>

<sc_bundles>
// kernel: kernel.3.cloned.1.call-start
scs
__scs_entry_jumppad:
0x0: {  	(pc) =	sbr.rel $0x88, $3  }
0x1: {  	(tag) =	ssettag $0x0;
	lr =	simm.s32 $0x1  }
0x2: {  	[smem:$0x3FA0] =	sst lr;
	_ =	strace $0xD0000000  }
0x3: {  	_ = 	snop  }
0x4: {  	_ = 	snop  }
0x5: {  	_ = 	snop  }
0x6: {  	_ = 	snop  }
0x7: {  	_ = 	snop  }
__scs_overlays_trampoline_lowered:
0x8: {  	[smem:$0x3FAF] =	sst s0  }
0x9: {  	[smem:$0x3FB0] =	sst s1  }
0xa: {  	[smem:$0x3FB1] =	sst s2  }
0xb: {  	[smem:$0x3FB2] =	sst s3  }
0xc: {  	[smem:$0x3FB3] =	sst s4  }
0xd: {  	[smem:$0x3FB4] =	sst s5  }
0xe: {  	[smem:$0x3FB5] =	sst s6  }
0xf: {  	[smem:$0x3FB6] =	sst s7  }
0x10: {  	[smem:$0x3FB7] =	sst s8  }
0x11: {  	[smem:$0x3FB8] =	sst s9;
	s0 =	simm.s32 @!p0 $0x0  }
0x12: {  	s1 =	sld [smem:$0x3F9E];
	s0 =	simm.s32 @p0 $0x1  }
0x13: {  	[smem:$0x3FB9] =	sst s0;
	s0 =	simm.s32 @!p1 $0x0  }
0x14: {  	s2 =	sld [smem:$0x3F9D];
	s0 =	simm.s32 @p1 $0x1  }
0x15: {  	[smem:$0x3FBA] =	sst s0;
	s0 =	simm.s32 @!p2 $0x0  }
0x16: {  	s3 =	sld [smem:$0x3FDB];
	s0 =	simm.s32 @p2 $0x1  }
0x17: {  	s4 =	simm.s32 $0x1BF5;
	[smem:$0x3FBC] =	sst s0  }
0x18: {  	s0 =	sld [smem:$0x3F9F];
	_ =	swait.ge [sflag:s4], $0x0  }
0x19: {  	s7 =	sld [smem:$0x3FA0]  }
0x1a: {  	s8 =	sadd.s32 $0xFFFFE003, lr  }
0x1b: {  	s9 =	sadd.s32 $0xFFFFFEF7, lr;
	s5 =	simm.s32 $0xFFFFFFFF;
	p2 =	slt.u32 s8, $0xFFFFF086  }
0x1c: {  	p1 =	slt.u32 s9, $0xF7A;
	s5 =	simm.s32 @!p2 $0x0  }
0x1d: {  	s5 =	simm.s32 @p1 $0x1;
	p0 =	seq.s32 s7, s2  }
0x1e: {  	s7 =	smul.u32 @!p0 $0xF7A, s2;
	p2 =	seq.s32 @!p0 s5, $0x0  }
0x1f: {  	s9 =	smul.u32 $0xF7A, s1;
	s8 =	simm.s32 @!p0 $0x1BF5;
	p2 =	por !p2, p0  }
0x20: {  	[sflag:s8] =	ssyncset.s32 @!p0 $0xFFFFF086;
	s6 =	sadd.s32 @!p0 s3, s7;
	s7 =	simm.s32 @!p0 $0x108  }
0x21: {  	s3 =	sadd.s32 s3, s9;
	s6 =	sadd.s32 @!p0 $0x88, s6;
	s7 =	simm.s32 @p2 $0x1082  }
0x22: {  	[simem:s7], [sflag:s8] =	dma.local @!p0 [hbm:s6], $0xF7A  }
0x23: {  	s9 =	sor.u32 $0xD0000000, s2;
	s6 =	simm.s32 $0x108;
	_ =	swait.ge @!p0 [sflag:s8], $0x0  }
0x24: {  	s3 =	sadd.s32 $0x88, s3;
	s6 =	simm.s32 @!p1 $0x1082;
	[sflag:s4] =	ssyncset.s32 $0xFFFFF086  }
0x25: {  	[simem:s6], [sflag:s4] =	dma.local [hbm:s3], $0xF7A  }
0x26: {  	[smem:$0x3FA0] =	sst s1;
	(tag) =	ssettag s2;
	_ =	strace s9  }
0x27: {  	s1 =	sld [smem:$0x3FB0]  }
0x28: {  	s2 =	sld [smem:$0x3FB1]  }
0x29: {  	s4 =	sld [smem:$0x3FB3]  }
0x2a: {  	p0 =	seq.s32 s5, $0x0;
	s5 =	sld [smem:$0x3FB4]  }
0x2b: {  	s6 =	sld [smem:$0x3FB5]  }
0x2c: {  	s7 =	sld [smem:$0x3FB6]  }
0x2d: {  	s3 =	simm.s32 $0x108;
	s8 =	sld [smem:$0x3FB7]  }
0x2e: {  	s3 =	simm.s32 @!p0 $0x1082;
	s9 =	sld [smem:$0x3FB8]  }
0x2f: {  	lr =	sadd.s32 s0, s3;
	s0 =	sld [smem:$0x3FAF]  }
0x30: {  	s3 =	sld [smem:$0x3FB2]  }
0x31: {  	[smem:$0x3FBB] =	sst s10  }
0x32: {  	s10 =	sld [smem:$0x3FB9];
	_ =	sdelay $0x3  }
0x33: {  	p0 =	seq.s32 s10, $0x1;
	s10 =	sld [smem:$0x3FBB];
	_ =	sdelay $0x3  }
0x34: {  	[smem:$0x3FBB] =	sst s10  }
0x35: {  	s10 =	sld [smem:$0x3FBA];
	_ =	sdelay $0x3  }
0x36: {  	p1 =	seq.s32 s10, $0x1;
	s10 =	sld [smem:$0x3FBB];
	_ =	sdelay $0x3  }
0x37: {  	[smem:$0x3FBB] =	sst s10  }
0x38: {  	s10 =	sld [smem:$0x3FBC]  }
0x39: {  	_ = 	snop;
	(pc) =	sbr.ind lr, $3  }
0x3a: {  	_ = 	snop  }
0x3b: {  	_ = 	snop  }
0x3c: {  	p2 =	seq.s32 s10, $0x1;
	s10 =	sld [smem:$0x3FBB]  }
0x3d: {  	_ =	shalt  }
0x3e: {  	_ =	shalt  }
0x3f: {  	_ =	shalt  }
0x40: {  	_ =	shalt  }
0x41: {  	_ =	shalt  }
0x42: {  	_ =	shalt  }
0x43: {  	_ =	shalt  }
0x44: {  	_ =	shalt  }
0x45: {  	_ =	shalt  }
0x46: {  	_ =	shalt  }
0x47: {  	_ =	shalt  }
0x48: {  	_ =	shalt  }
0x49: {  	_ =	shalt  }
0x4a: {  	_ =	shalt  }
0x4b: {  	_ =	shalt  }
0x4c: {  	_ =	shalt  }
0x4d: {  	_ =	shalt  }
0x4e: {  	_ =	shalt  }
0x4f: {  	_ =	shalt  }
0x50: {  	_ =	shalt  }
0x51: {  	_ =	shalt  }
0x52: {  	_ =	shalt  }
0x53: {  	_ =	shalt  }
0x54: {  	_ =	shalt  }
0x55: {  	_ =	shalt  }
0x56: {  	_ =	shalt  }
0x57: {  	_ =	shalt  }
0x58: {  	_ =	shalt  }
0x59: {  	_ =	shalt  }
0x5a: {  	_ =	shalt  }
0x5b: {  	_ =	shalt  }
0x5c: {  	_ =	shalt  }
0x5d: {  	_ =	shalt  }
0x5e: {  	_ =	shalt  }
0x5f: {  	_ =	shalt  }
0x60: {  	_ =	shalt  }
0x61: {  	_ =	shalt  }
0x62: {  	_ =	shalt  }
0x63: {  	_ =	shalt  }
0x64: {  	_ =	shalt  }
0x65: {  	_ =	shalt  }
0x66: {  	_ =	shalt  }
0x67: {  	_ =	shalt  }
0x68: {  	_ =	shalt  }
0x69: {  	_ =	shalt  }
0x6a: {  	_ =	shalt  }
0x6b: {  	_ =	shalt  }
0x6c: {  	_ =	shalt  }
0x6d: {  	_ =	shalt  }
0x6e: {  	_ =	shalt  }
0x6f: {  	_ =	shalt  }
0x70: {  	_ =	shalt  }
0x71: {  	_ =	shalt  }
0x72: {  	_ =	shalt  }
0x73: {  	_ =	shalt  }
0x74: {  	_ =	shalt  }
0x75: {  	_ =	shalt  }
0x76: {  	_ =	shalt  }
0x77: {  	_ =	shalt  }
0x78: {  	_ =	shalt  }
0x79: {  	_ =	shalt  }
0x7a: {  	_ =	shalt  }
0x7b: {  	_ =	shalt  }
0x7c: {  	_ =	shalt  }
0x7d: {  	_ =	shalt  }
0x7e: {  	_ =	shalt  }
0x7f: {  	_ =	shalt  }
0x80: {  	_ =	shalt  }
0x81: {  	_ =	shalt  }
0x82: {  	_ =	shalt  }
0x83: {  	_ =	shalt  }
0x84: {  	_ =	shalt  }
0x85: {  	_ =	shalt  }
0x86: {  	_ =	shalt  }
0x87: {  	_ =	shalt  }
.Lfunc_end0:
.L_simem_size_0:
called_computation_lowered:
.L_overlay_start_0:
0x88: {  	s2 =	sld [smem:$0x3FD9]  }
0x89: {  	s3 =	sld [smem:$0x3FFE];
	_ =	sdelay $0x1  }
0x8a: {  	s1 =	srdreg.scid  }
0x8b: {  	s0 =	sand.u32 $0x1, s1  }
0x8c: {  	s18 =	sshll.u32 s0, $0xA;
	s2 =	sadd.s32 s3, s2  }
0x8d: {  	s2 =	sadd.s32 s2, s18  }
0x8e: {  	[smem:$0x3FC7] =	sst s2  }
0x8f: {  	_ = 	snop  }
0x90: {  	s2 =	sld [smem:$0x3FC9]  }
0x91: {  	s19 =	sld [smem:$0x3FD0];
	(tm) =	ssettm $0x1  }
0x92: {  	s4 =	sld [smem:$0x3FFB];
	_ =	sdelay $0x3  }
0x93: {  	_ =	strace s4  }
0x94: {  	s4 =	sld [smem:$0x3FFC];
	_ =	sdelay $0x3  }
0x95: {  	_ =	strace s4  }
0x96: {  	s4 =	sld [smem:$0x3FFD];
	_ =	sdelay $0x3  }
0x97: {  	_ =	strace s4  }
0x98: {  	_ =	strace $0x8FFFFFFF  }
0x99: {  	s20 =	sld [smem:$0x3FDB];
	_ =	sdelay $0x1  }
0x9a: {  	s5 =	simm.s32 $_scs_section_size  }
0x9b: {  	s6 =	simm.s32 $_size__tile_overlayer_lowered;
	s7 =	simm.s32 $_tile_overlayer_lowered  }
0x9c: {  	s23 =	simm.s32 $0x1BFF;
	s22 =	sshll.u32 s7, $0x1;
	s4 =	sadd.s32 s5, s20  }
0x9d: {  	s8 =	simm.s32 $0x0;
	s21 =	sshll.u32 s6, $0x1;
	s6 =	sadd.s32 s22, s4  }
0x9e: {  	[timem:s8], [sflag:s23] =	dma.local [hbm:s6], s21  }
0x9f: {  	_ =	swait.ge [sflag:s23], s21  }
0xa0: {  	s5 =	ssub.s32 $0x0, s21;
	[sflag:s23] =	ssyncset.done $0x0  }
0xa1: {  	[sflag:s23] =	ssyncadd.s32 s5;
	_ =	sdelay $0x1  }
0xa2: {  	s24 =	simm.s32 $0x1B8B  }
0xa3: {  	_ =	swait.ge [sflag:s24], $0x1  }
0xa4: {  	[sflag:s24] =	ssyncset.done $0x0  }
0xa5: {  	s25 =	simm.s32 $0x1B8E;
	[sflag:s24] =	ssyncadd.s32 $0xFFFFFFFF  }
0xa6: {  	s26 =	simm.s32 $execute0_lowered;
	[smem:$0x3FD2] =	sst s25  }
0xa7: {  	s5 =	sshll.u32 s26, $0x1;
	_ =	strace $0x80000046;
	[dreg:$0x1] =	wrdreg $0xFFFFFFFF  }
0xa8: {  	s28 =	simm.s32 $_size_execute0_lowered;
	s4 =	sadd.s32 s4, s5;
	[dreg:$0x0] =	wrdreg $0x0  }
0xa9: {  	s5 =	sshll.u32 s28, $0x1;
	[dreg:$0x2] =	wrdreg s4  }
0xaa: {  	[dreg:$0x3] =	wrdreg s5  }
0xab: {  	[dreg:$0x4] =	wrdreg $0xC0  }
0xac: {  	_ =	task [dreg:s8], $0x5FFFF  }
0xad: {  	[dreg:$0x1] =	wrdreg $0xFFFFFFFF  }
0xae: {  	[dreg:$0x0] =	wrdreg $0x60  }
0xaf: {  	[dreg:$0x2] =	wrdreg s2  }
0xb0: {  	[dreg:$0x3] =	wrdreg s19  }
0xb1: {  	[dreg:$0x4] =	wrdreg $0x0  }
0xb2: {  	[dreg:$0x5] =	wrdreg $0x9  }
0xb3: {  	_ =	task.clear_ibuf [dreg:s8], $0x6FFFF;
	_ =	strace $0x90000046  }
0xb4: {  	s29 =	simm.s32 $0x9;
	_ =	strace $0x80000048  }
0xb5: {  	_ =	swait.ge [sflag:s29], $0x1  }
0xb6: {  	[sflag:s29] =	ssyncadd.s32 $0xFFFFFFFF  }
0xb7: {  	_ =	strace $0x90000048  }
0xb8: {  	_ =	sfence  }
0xb9: {  	s30 =	sld [smem:$0x0];
	_ =	sdelay $0x2  }
0xba: {  	s31 =	sshll.u32 s1, $0xD;
	s1 =	sshrl.u32 s1, $0x2  }
0xbb: {  	s3 =	sand.u32 $0x4000, s31;
	s1 =	sadd.s32 s1, s30  }
0xbc: {  	s0 =	sor.u32 s3, s0;
	s1 =	sshll.u32 s1, $0x11  }
0xbd: {  	s0 =	sor.u32 s1, s0  }
0xbe: {  	s0 =	sadd.s32 $0x8F2B, s0  }
0xbf: {  	[sflag:s0] =	ssyncadd.remote.s32 $0x1  }
0xc0: {  	_ =	sfence.sel $0xFFFF  }
0xc1: {  	[dreg:$0x0] =	wrdreg $0xFFFFFFFF;
	(pc) =	sbr.abs _section_cstart, $3  }
0xc2: {  	[dreg:$0x1] =	wrdreg $0xFFFFFFFF  }
0xc3: {  	_ =	task.clear_ibuf [dreg:s8], $0x2FFFF;
	_ =	strace $0x9FFFFFFF  }
0xc4: {  	(tm) =	ssettm $0x7FFFFFFF  }
0xc5: {  	_ =	shalt  }
tec
execute0_lowered:
.L_overlay_start_1:
0x0: {  	(tag) =	ssettag $0x1  }
0x1: {  	s0 =	srdreg.scid  }
0x2: {  	s17 =	stileid.u32;
	s19 =	rddreg [dreg:$0x0]  }
0x3: {  	s20 =	rddreg [dreg:$0x1];
	s30 =	simm.s32 $0x6;
	s1 =	sshll.u32 s17, $0x1  }
0x4: {  	s2 =	sor.u32 $0xFFFFFFFE, s0;
	s14 =	sand.u32 $0x1, s0;
	s0 =	simm.s32 $0x0  }
0x5: {  	p0 =	sne.s32 s17, $0x0;
	s17 =	simm.s32 $0x4;
	s18 =	sadd.s32 s2, s1  }
0x6: {  	s24 =	ssub.s32 $0x2, s14;
	[smem:$0x7FF] =	sst s0;
	s1 =	smul.u32 $0x23000, s18  }
0x7: {  	s3 =	sshrl.u32 s24, $0x1;
	s15 =	sshll.u32 s18, $0x9;
	s16 =	sshll.u32 s18, $0x7  }
0x8: {  	p1 =	sgt.s32 s18, $0x9;
	s18 =	simm.s32 $0x2;
	s21 =	ssub.s32 s24, s3  }
0x9: {  	s15 =	sand.u32 $0x7FFFF000, s15;
	s16 =	sand.u32 $0x380, s16;
	s24 =	smul.u32 $0x42600, s14  }
0xa: {  	s10 =	sshrl.u32 s1, $0x3;
	s15 =	sor.u32 s16, s15;
	s1 =	smul.u32 $0x213000, s14  }
0xb: {  	s28 =	smax.u32 s21, $0x1;
	s21 =	simm.s32 $0x10E00;
	s4 =	sadd.s32 $0x84C00, s10  }
0xc: {  	s6 =	sadd.s32 $0x85600, s10;
	s8 =	sadd.s32 $0x86000, s10;
	s11 =	sadd.s32 $0x86A00, s10  }
0xd: {  	s12 =	sadd.s32 $0x87400, s10;
	s13 =	sadd.s32 $0x87E00, s10;
	s22 =	sadd.s32 $0x88800, s10  }
0xe: {  	s15 =	sadd.s32 $0x840000, s15;
	s2 =	sadd.s32 s19, s24;
	s25 =	sadd.s32 s19, s4  }
0xf: {  	s26 =	sadd.s32 s19, s6;
	s31 =	sadd.s32 s19, s8;
	s4 =	sadd.s32 s20, s4  }
0x10: {  	s5 =	sadd.s32 s19, s11;
	s6 =	sadd.s32 s20, s6;
	s7 =	sadd.s32 s19, s12  }
0x11: {  	s8 =	sadd.s32 s20, s8;
	s9 =	sadd.s32 s19, s13;
	[dreg:$0x7] =	wrdreg s2  }
0x12: {  	s10 =	sadd.s32 s20, s11;
	s11 =	sadd.s32 s19, s22;
	[dreg:$0x4] =	wrdreg s25  }
0x13: {  	s12 =	sadd.s32 s20, s12;
	s14 =	sadd.s32 s20, s22;
	[dreg:$0x5] =	wrdreg s26  }
0x14: {  	s22 =	sshrl.u32 s1, $0x3;
	[dreg:$0x6] =	wrdreg s31;
	s25 =	sadd.s32 s20, s24  }
0x15: {  	s23 =	sshrl.u32 s15, $0x3;
	s3 =	sadd.s32 $0x10E00, s22;
	[dreg:$0x8] =	wrdreg s25  }
0x16: {  	s15 =	sadd.s32 s19, s23;
	s26 =	sadd.s32 s19, s3;
	s25 =	rddreg [dreg:$0x2]  }
0x17: {  	s31 =	sadd.s32 $0x21600, s22;
	s2 =	sadd.s32 s20, s3;
	[dreg:$0x9] =	wrdreg s26  }
0x18: {  	s22 =	sadd.s32 $0x31E00, s22;
	s3 =	sadd.s32 s19, s31;
	[dreg:$0xa] =	wrdreg s2  }
0x19: {  	s16 =	sadd.s32 s20, s23;
	s23 =	sadd.s32 s19, s22;
	[dreg:$0xb] =	wrdreg s3  }
.Ltmp0:
0x1a: {  	s24 =	sadd.s32 s20, s31;
	[dreg:$0xc] =	wrdreg s23;
	(pc) =	sbr.rel .LBB2_1-.Ltmp0, $4  }
0x1b: {  	s13 =	sadd.s32 s20, s13;
	[dreg:$0xd] =	wrdreg s24;
	s26 =	sadd.s32 s20, s22  }
0x1c: {  	s31 =	sadd.s32 $0x87000, s25;
	s22 =	simm.s32 $0x1;
	s20 =	simm.s32 $0x5  }
0x1d: {  	s23 =	simm.s32 $0x15E00;
	s24 =	simm.s32 $0x1AE00;
	[dreg:$0xe] =	wrdreg s26  }
0x1e: {  	s29 =	sshrl.u32 s31, $0x3;
	s26 =	simm.s32 $0x3;
	_ =	strace $0x80000047  }
.LBB2_3:
0x1f: {  	s1 =	rddreg [dreg:$0x4]  }
0x20: {  	[tilespmem:s21], [sflag:$0x1] =	stream.linear.gather [hbm4b:s1+s0], $0x5000, $0x38;
	[tilespmem:$0x1FE00] =	vst v63  }
0x21: {  	s25 =	rddreg [dreg:$0x5]  }
0x22: {  	[tilespmem:s23], [sflag:$0x2] =	stream.linear.gather [hbm4b:s25+s0], $0x5000, $0x38;
	[tilespmem:$0x1FE00] =	vst v63  }
0x23: {  	s31 =	rddreg [dreg:$0x6]  }
0x24: {  	[tilespmem:s24], [sflag:$0x3] =	stream.linear.gather [hbm4b:s31+s0], $0x5000, $0x38;
	[tilespmem:$0x1FE00] =	vst v63  }
0x25: {  	_ =	swait.ge [sflag:s22], $0x5000  }
0x26: {  	[sflag:s22] =	ssyncset.done $0x0  }
0x27: {  	[sflag:s22] =	ssyncadd.s32 $0xFFFFB000  }
0x28: {  	[hbm4b:s4+s0] =	stream.linear.scatter [tilespmem:s21], [sflag:$0x4], $0x5000, $0x38;
	[tilespmem:$0x1FE00] =	vst v63  }
0x29: {  	_ =	swait.ge [sflag:s17], $0x5000  }
0x2a: {  	[sflag:s17] =	ssyncset.done $0x0  }
0x2b: {  	[sflag:s17] =	ssyncadd.s32 $0xFFFFB000  }
0x2c: {  	[tilespmem:s21], [sflag:$0x1] =	stream.linear.gather [hbm4b:s5+s0], $0x5000, $0x38;
	[tilespmem:$0x1FE00] =	vst v63  }
0x2d: {  	_ =	swait.ge [sflag:s18], $0x5000  }
0x2e: {  	[sflag:s18] =	ssyncset.done $0x0  }
0x2f: {  	[sflag:s18] =	ssyncadd.s32 $0xFFFFB000  }
0x30: {  	[hbm4b:s6+s0] =	stream.linear.scatter [tilespmem:s23], [sflag:$0x5], $0x5000, $0x38;
	[tilespmem:$0x1FE00] =	vst v63  }
0x31: {  	_ =	swait.ge [sflag:s20], $0x5000  }
0x32: {  	[sflag:s20] =	ssyncset.done $0x0  }
0x33: {  	[sflag:s20] =	ssyncadd.s32 $0xFFFFB000  }
0x34: {  	[tilespmem:s23], [sflag:$0x2] =	stream.linear.gather [hbm4b:s7+s0], $0x5000, $0x38;
	[tilespmem:$0x1FE00] =	vst v63  }
0x35: {  	_ =	swait.ge [sflag:s26], $0x5000  }
0x36: {  	[sflag:s26] =	ssyncset.done $0x0  }
0x37: {  	[sflag:s26] =	ssyncadd.s32 $0xFFFFB000  }
0x38: {  	[hbm4b:s8+s0] =	stream.linear.scatter [tilespmem:s24], [sflag:$0x6], $0x5000, $0x38;
	[tilespmem:$0x1FE00] =	vst v63  }
0x39: {  	_ =	swait.ge [sflag:s30], $0x5000  }
0x3a: {  	[sflag:s30] =	ssyncset.done $0x0  }
0x3b: {  	[sflag:s30] =	ssyncadd.s32 $0xFFFFB000  }
0x3c: {  	[tilespmem:s24], [sflag:$0x3] =	stream.linear.gather [hbm4b:s9+s0], $0x5000, $0x38;
	[tilespmem:$0x1FE00] =	vst v63  }
0x3d: {  	_ =	swait.ge [sflag:s22], $0x5000  }
0x3e: {  	[sflag:s22] =	ssyncset.done $0x0  }
0x3f: {  	[sflag:s22] =	ssyncadd.s32 $0xFFFFB000  }
0x40: {  	[hbm4b:s10+s0] =	stream.linear.scatter [tilespmem:s21], [sflag:$0x4], $0x5000, $0x38;
	[tilespmem:$0x1FE00] =	vst v63  }
0x41: {  	_ =	swait.ge [sflag:s17], $0x5000  }
0x42: {  	[sflag:s17] =	ssyncset.done $0x0  }
0x43: {  	[sflag:s17] =	ssyncadd.s32 $0xFFFFB000  }
0x44: {  	[tilespmem:s21], [sflag:$0x1] =	stream.linear.gather [hbm4b:s11+s0], $0x5000, $0x38;
	[tilespmem:$0x1FE00] =	vst v63  }
0x45: {  	_ =	swait.ge [sflag:s18], $0x5000  }
0x46: {  	[sflag:s18] =	ssyncset.done $0x0  }
0x47: {  	[sflag:s18] =	ssyncadd.s32 $0xFFFFB000  }
0x48: {  	[hbm4b:s12+s0] =	stream.linear.scatter [tilespmem:s23], [sflag:$0x5], $0x5000, $0x38;
	[tilespmem:$0x1FE00] =	vst v63  }
0x49: {  	_ =	swait.ge [sflag:s26], $0x5000  }
0x4a: {  	[sflag:s26] =	ssyncset.done $0x0  }
0x4b: {  	[sflag:s26] =	ssyncadd.s32 $0xFFFFB000  }
0x4c: {  	[hbm4b:s13+s0] =	stream.linear.scatter [tilespmem:s24], [sflag:$0x6], $0x5000, $0x38;
	[tilespmem:$0x1FE00] =	vst v63  }
0x4d: {  	_ =	swait.ge [sflag:s22], $0x5000  }
0x4e: {  	[sflag:s22] =	ssyncset.done $0x0  }
0x4f: {  	[sflag:s22] =	ssyncadd.s32 $0xFFFFB000  }
0x50: {  	[hbm4b:s14+s0] =	stream.linear.scatter [tilespmem:s21], [sflag:$0x4], $0x5000, $0x38;
	[tilespmem:$0x1FE00] =	vst v63  }
0x51: {  	_ =	swait.ge [sflag:s20], $0x5000  }
0x52: {  	[sflag:s20] =	ssyncset.done $0x0  }
0x53: {  	[sflag:s20] =	ssyncadd.s32 $0xFFFFB000  }
0x54: {  	_ =	swait.ge [sflag:s30], $0x5000  }
0x55: {  	[sflag:s30] =	ssyncset.done $0x0  }
0x56: {  	[sflag:s30] =	ssyncadd.s32 $0xFFFFB000  }
0x57: {  	_ =	swait.ge [sflag:s17], $0x5000  }
0x58: {  	[sflag:s17] =	ssyncset.done $0x0  }
0x59: {  	s25 =	simm.s32 @!p1 $0x10E00;
	s31 =	simm.s32 @!p1 $0x0;
	[sflag:s17] =	ssyncadd.s32 $0xFFFFB000  }
0x5a: {  	[tilespmem:s25], [sflag:$0x7] =	stream.linear.gather @!p1 [hbm4b:s15+s31], $0x80, $0x38;
	[tilespmem:$0x1FE00] =	vst v63  }
0x5b: {  	s19 =	sadd.s32 @!p1 $0x80, s15;
	s1 =	simm.s32 @!p1 $0x11200  }
0x5c: {  	[tilespmem:s1], [sflag:$0x7] =	stream.linear.gather @!p1 [hbm4b:s19+s31], $0x80, $0x38;
	[tilespmem:$0x1FE00] =	vst v63  }
0x5d: {  	s2 =	simm.s32 @!p1 $0x11600;
	s19 =	sadd.s32 @!p1 $0x100, s15  }
0x5e: {  	[tilespmem:s2], [sflag:$0x7] =	stream.linear.gather @!p1 [hbm4b:s19+s31], $0x80, $0x38;
	[tilespmem:$0x1FE00] =	vst v63  }
0x5f: {  	s3 =	simm.s32 @!p1 $0x11A00;
	s19 =	sadd.s32 @!p1 $0x180, s15  }
0x60: {  	[tilespmem:s3], [sflag:$0x7] =	stream.linear.gather @!p1 [hbm4b:s19+s31], $0x80, $0x38;
	[tilespmem:$0x1FE00] =	vst v63  }
0x61: {  	s19 =	simm.s32 @!p1 $0x7  }
0x62: {  	_ =	swait.ge @!p1 [sflag:s19], $0x200  }
0x63: {  	[sflag:s19] =	ssyncset.done @!p1 $0x0  }
0x64: {  	[sflag:s19] =	ssyncadd.s32 @!p1 $0xFFFFFE00  }
0x65: {  	[hbm4b:s16+s31] =	stream.linear.scatter @!p1 [tilespmem:s25], [sflag:$0x7], $0x80, $0x38;
	[tilespmem:$0x1FE00] =	vst v63  }
0x66: {  	s25 =	sadd.s32 @!p1 $0x80, s16  }
0x67: {  	[hbm4b:s25+s31] =	stream.linear.scatter @!p1 [tilespmem:s1], [sflag:$0x7], $0x80, $0x38;
	[tilespmem:$0x1FE00] =	vst v63  }
0x68: {  	s1 =	sadd.s32 @!p1 $0x100, s16  }
0x69: {  	[hbm4b:s1+s31] =	stream.linear.scatter @!p1 [tilespmem:s2], [sflag:$0x7], $0x80, $0x38;
	[tilespmem:$0x1FE00] =	vst v63  }
0x6a: {  	s1 =	sadd.s32 @!p1 $0x180, s16  }
0x6b: {  	[hbm4b:s1+s31] =	stream.linear.scatter @!p1 [tilespmem:s3], [sflag:$0x7], $0x80, $0x38;
	[tilespmem:$0x1FE00] =	vst v63  }
0x6c: {  	_ =	swait.ge @!p1 [sflag:s19], $0x200  }
0x6d: {  	[sflag:s19] =	ssyncset.done @!p1 $0x0  }
0x6e: {  	[sflag:s19] =	ssyncadd.s32 @!p1 $0xFFFFFE00  }
.LBB2_4:
0x6f: {  	s28 =	sadd.s32 $0xFFFFFFFF, s28  }
0x70: {  	p2 =	sne.s32 s28, $0x0  }
.Ltmp1:
0x71: {  	_ = 	snop;
	(pc) =	sbr.rel @!p2 .LBB2_5-.Ltmp1, $1  }
0x72: {  	_ =	sdelay $0x3  }
.LBB2_1:
.Ltmp2:
0x73: {  	(pc) =	sbr.rel @p0 .LBB2_3-.Ltmp2, $1  }
0x74: {  	_ =	sdelay $0x3  }
0x75: {  	s1 =	rddreg [dreg:$0x2]  }
0x76: {  	s19 =	rddreg [dreg:$0x7];
	s2 =	simm.s32 $0x1C01;
	s31 =	sshrl.u32 s1, $0x3  }
0x77: {  	[spmem:s31], [sflag:s2] =	dma.local [hbm:s19], $0x10E00  }
0x78: {  	s3 =	simm.s32 $0x1C02;
	s1 =	rddreg [dreg:$0x9]  }
0x79: {  	[spmem:s29], [sflag:s3] =	dma.local [hbm:s1], $0x10800  }
0x7a: {  	_ =	swait.ge [sflag:s22], $0x10E00  }
0x7b: {  	[sflag:s22] =	ssyncset.done $0x0  }
0x7c: {  	s19 =	simm.s32 $0x1C04;
	s25 =	rddreg [dreg:$0x8];
	[sflag:s22] =	ssyncadd.s32 $0xFFFEF200  }
0x7d: {  	[hbm:s25], [sflag:s19] =	dma.local [spmem:s31], $0x10E00  }
0x7e: {  	_ =	swait.ge [sflag:s17], $0x10E00  }
0x7f: {  	[sflag:s17] =	ssyncset.done $0x0  }
0x80: {  	s25 =	rddreg [dreg:$0xb];
	[sflag:s17] =	ssyncadd.s32 $0xFFFEF200  }
0x81: {  	[spmem:s31], [sflag:s2] =	dma.local [hbm:s25], $0x10800  }
0x82: {  	_ =	swait.ge [sflag:s18], $0x10800  }
0x83: {  	[sflag:s18] =	ssyncset.done $0x0  }
0x84: {  	s2 =	simm.s32 $0x1C05;
	s25 =	rddreg [dreg:$0xa];
	[sflag:s18] =	ssyncadd.s32 $0xFFFEF800  }
0x85: {  	[hbm:s25], [sflag:s2] =	dma.local [spmem:s29], $0x10800  }
0x86: {  	_ =	swait.ge [sflag:s20], $0x10800  }
0x87: {  	[sflag:s20] =	ssyncset.done $0x0  }
0x88: {  	s25 =	rddreg [dreg:$0xc];
	[sflag:s20] =	ssyncadd.s32 $0xFFFEF800  }
0x89: {  	[spmem:s29], [sflag:s3] =	dma.local [hbm:s25], $0x10800  }
0x8a: {  	_ =	swait.ge [sflag:s22], $0x10800  }
0x8b: {  	[sflag:s22] =	ssyncset.done $0x0  }
0x8c: {  	s25 =	rddreg [dreg:$0xd];
	[sflag:s22] =	ssyncadd.s32 $0xFFFEF800  }
0x8d: {  	[hbm:s25], [sflag:s19] =	dma.local [spmem:s31], $0x10800  }
0x8e: {  	_ =	swait.ge [sflag:s18], $0x10800  }
0x8f: {  	[sflag:s18] =	ssyncset.done $0x0  }
0x90: {  	s31 =	rddreg [dreg:$0xe];
	[sflag:s18] =	ssyncadd.s32 $0xFFFEF800  }
0x91: {  	[hbm:s31], [sflag:s2] =	dma.local [spmem:s29], $0x10800  }
0x92: {  	_ =	swait.ge [sflag:s17], $0x10800  }
.Ltmp3:
0x93: {  	[sflag:s17] =	ssyncset.done $0x0;
	(pc) =	sbr.rel .LBB2_4-.Ltmp3, $4  }
0x94: {  	[sflag:s17] =	ssyncadd.s32 $0xFFFEF800  }
0x95: {  	_ =	swait.ge [sflag:s20], $0x10800  }
0x96: {  	[sflag:s20] =	ssyncset.done $0x0  }
0x97: {  	[sflag:s20] =	ssyncadd.s32 $0xFFFEF800  }
.LBB2_5:
0x98: {  	_ =	sfence.sel $0x180000  }
0x99: {  	[bflag:$0x0] =	sbarrier.arrive $0xFFFF  }
0x9a: {  	_ =	strace $0x90000047  }
0x9b: {  	[bflag:$0x2] =	sbarrier.arrive $0xFFFF  }
0x9c: {  	s0 =	rddreg [dreg:$0x3]  }
0x9d: {  	s0 =	sadd.s32 @!p0 $0x100000, s0  }
0x9e: {  	[sflag:s0] =	ssyncadd.tile.s32 @!p0 $0x1;
	_ =	shalt  }
.Lfunc_end2:
_tile_overlayer_lowered:
.L_overlay_start_2:
0x9f: {  	(tag) =	ssettag $0x2  }
0xa0: {  	s0 =	rddreg [dreg:$0x0];
	s2 =	stileid.u32  }
0xa1: {  	s1 =	rddreg [dreg:$0x1];
	p0 =	sne.s32 s2, $0x0  }
0xa2: {  	s3 =	rddreg [dreg:$0x2];
	[bflag:$0x3] =	sbarrier.arrive $0xFFFF;
	s2 =	simm.s32 @!p0 $0x1C07  }
0xa3: {  	[timem:s3], [sflag:s2] =	dma.local @!p0 [hbm:s0], s1  }
0xa4: {  	s0 =	simm.s32 @!p0 $0x7  }
0xa5: {  	_ =	swait.ge @!p0 [sflag:s0], s1  }
0xa6: {  	s1 =	ssub.s32 @!p0 $0x0, s1;
	[sflag:s0] =	ssyncset.done @!p0 $0x0  }
0xa7: {  	[sflag:s0] =	ssyncadd.s32 @!p0 s1  }
0xa8: {  	[bflag:$0x3] =	sbarrier.arrive $0xFFFF  }
0xa9: {  	_ =	shalt  }

</sc_bundles>
